<compile_context>
chip_gen: v7x
topology: tpu7x:2x2x1
jax: 0.10.2.dev20260603
libtpu: 0.0.44.dev20260713+nightly
codegen_flags: <defaults>
</compile_context>

<pallas_src>
import functools

import jax
import jax.numpy as jnp
from jax import lax
from jax.experimental import pallas as pl
from jax.experimental.pallas import tpu as pltpu
from jax.experimental.pallas import tpu_sc as plsc

_VOCAB = 100000
_D = 162
_DP = 256
_BATCH = 4096
_SEQ = 50
_B = _BATCH * _SEQ

_NC = 2
_NS = 16
_NW = _NC * _NS
_CHUNK = 128
_PER_W = _B // _NW
_NCHUNK = _PER_W // _CHUNK
_NBUF = 2


def _sc_gather(nid_flat, table_pad):
    mesh = plsc.VectorSubcoreMesh(core_axis_name="c", subcore_axis_name="s")

    @functools.partial(
        pl.kernel,
        out_type=jax.ShapeDtypeStruct((_B, _DP), jnp.float32),
        mesh=mesh,
        scratch_types=[
            *[pltpu.VMEM((_CHUNK,), jnp.int32) for _ in range(_NBUF)],
            *[pltpu.VMEM((_CHUNK, _DP), jnp.float32) for _ in range(_NBUF)],
            *[pltpu.SemaphoreType.DMA for _ in range(2 * _NBUF)],
        ],
        compiler_params=pltpu.CompilerParams(use_tc_tiling_on_sc=True),
    )
    def k(idx_hbm, table_hbm, out_hbm, *rest):
        idxb = rest[:_NBUF]
        bufs = rest[_NBUF : 2 * _NBUF]
        gsem = rest[2 * _NBUF : 3 * _NBUF]
        osem = rest[3 * _NBUF : 4 * _NBUF]
        wid = lax.axis_index("s") * _NC + lax.axis_index("c")
        base = wid * _PER_W

        def gather(c, slot):
            pltpu.sync_copy(
                idx_hbm.at[pl.ds(base + c * _CHUNK, _CHUNK)], idxb[slot]
            )
            pltpu.async_copy(table_hbm.at[idxb[slot]], bufs[slot], gsem[slot])

        def gwait(slot):
            pltpu.make_async_copy(
                table_hbm.at[idxb[slot]], bufs[slot], gsem[slot]
            ).wait()

        def copyout(c, slot):
            pltpu.async_copy(
                bufs[slot],
                out_hbm.at[pl.ds(base + c * _CHUNK, _CHUNK)],
                osem[slot],
            ).wait()

        for b in range(_NBUF):
            gather(b, b)

        @pl.loop(0, _NCHUNK)
        def _(c):
            for b in range(_NBUF):
                @pl.when(c % _NBUF == b)
                def _():
                    gwait(b)
                    copyout(c, b)

                    @pl.when(c + _NBUF < _NCHUNK)
                    def _():
                        gather(c + _NBUF, b)

    return k(nid_flat, table_pad)


def _tc_pad(table):
    rows_blk = 2000
    grid = _VOCAB // rows_blk

    def body(t_ref, o_ref):
        o_ref[:, : _D] = t_ref[...]
        o_ref[:, _D:] = jnp.zeros((rows_blk, _DP - _D), jnp.float32)

    return pl.pallas_call(
        body,
        grid=(grid,),
        in_specs=[pl.BlockSpec((rows_blk, _D), lambda i: (i, 0))],
        out_specs=pl.BlockSpec((rows_blk, _DP), lambda i: (i, 0)),
        out_shape=jax.ShapeDtypeStruct((_VOCAB, _DP), jnp.float32),
    )(table)


def _tc_depad(out_pad):
    b_blk = 32
    rows_blk = b_blk * _SEQ
    grid = _B // rows_blk

    def body(p_ref, o_ref):
        o_ref[...] = p_ref[...].reshape(b_blk, _SEQ, _DP)[:, :, : _D]

    return pl.pallas_call(
        body,
        grid=(grid,),
        in_specs=[pl.BlockSpec((rows_blk, _DP), lambda i: (i, 0))],
        out_specs=pl.BlockSpec((b_blk, _SEQ, _D), lambda i: (i, 0, 0)),
        out_shape=jax.ShapeDtypeStruct((_BATCH, _SEQ, _D), jnp.float32),
    )(out_pad)


def kernel(nid, table):
    out_pad = _sc_gather(nid.reshape(_B), _tc_pad(table))
    return out_pad[:, :_D].reshape(_BATCH, _SEQ, _D)

# --- scband reference (transcript-rebuilt; emitter-appended) ---
"""Pipeline reference for scband-feature-embedding-53429393162950 (READ-ONLY COPY).

The authoritative reference and input builder live on the scoring server;
editing this copy changes nothing except your own understanding.
"""

import jax, jax.numpy as jnp
import numpy as np

VOCAB = 100000
TITLE_LEN = 30
ABSTRACT_LEN = 30
BODY_LEN = 100
EMBED_DIM = TITLE_LEN + ABSTRACT_LEN + BODY_LEN + 2  # 162
BATCH = 4096
SEQ = 50


def setup_inputs(seed: int = 0) -> dict:
    key = jax.random.key(seed)
    k1, k2 = jax.random.split(key)
    nid = jax.random.randint(k1, (BATCH, SEQ), 0, VOCAB, dtype=jnp.int32)
    # Pretrained frozen feature matrix (torch uses LongTensor token-id features;
    # we materialize it as float32 so the same table works for the bwd variant;
    # the lookup op itself is identical).
    table = jax.random.normal(k2, (VOCAB, EMBED_DIM), dtype=jnp.float32)
    return {"nid": nid, "table": table}


def reference(nid, table):
    # FeatureEmbedding.forward: self.embedding(nid) -> gather rows of the
    # pretrained feature matrix. shape (B, hist+cand, embed_dim)
    return jnp.take(table, nid, axis=0)

if __name__ == "__main__":
    import jax
    _d = setup_inputs()
    print(jax.jit(kernel)(*tuple(_d.values())))

</pallas_src>

<mosaic_0001>
#map = affine_map<(d0, d1) -> (0)>
#map1 = affine_map<(d0, d1) -> (0, 0)>
module attributes {stable_mosaic.version = 14 : i64} {
  func.func @k(%arg0: i32, %arg1: i32, %arg2: memref<204800xi32, #tpu.memory_space<hbm>>, %arg3: memref<100000x256xf32, #tpu.memory_space<hbm>>, %arg4: memref<204800x256xf32, #tpu.memory_space<hbm>>, %arg5: memref<128xi32, #tpu.memory_space<vmem>>, %arg6: memref<128xi32, #tpu.memory_space<vmem>>, %arg7: memref<128x256xf32, #tpu.memory_space<vmem>>, %arg8: memref<128x256xf32, #tpu.memory_space<vmem>>, %arg9: memref<!tpu.dma_semaphore, #tpu.memory_space<semaphore_mem>>, %arg10: memref<!tpu.dma_semaphore, #tpu.memory_space<semaphore_mem>>, %arg11: memref<!tpu.dma_semaphore, #tpu.memory_space<semaphore_mem>>, %arg12: memref<!tpu.dma_semaphore, #tpu.memory_space<semaphore_mem>>) attributes {dimension_semantics = [#tpu.dimension_semantics<core_parallel>, #tpu.dimension_semantics<subcore_parallel>], iteration_bounds = array<i64: 2, 16>, scalar_prefetch = 0 : i64, scratch_operands = 8 : i64, tpu.core_type = #tpu.core_type<sc_vector_subcore>, window_params = [{transform_indices = #map}, {transform_indices = #map1}, {transform_indices = #map1}]} {
    %mul3A = arith.constant 2 : i32
    %mul3A_0 = arith.muli %arg1, %mul3A : i32
    %add3A = arith.addi %mul3A_0, %arg0 : i32
    %mul3A_1 = arith.constant 6400 : i32
    %mul3A_2 = arith.muli %add3A, %mul3A_1 : i32
    %add3A_3 = arith.constant 0 : i32
    %add3A_4 = arith.addi %mul3A_2, %add3A_3 : i32
    "tpu.region"() ({
      %run_scoped3A = tpu.sem_alloc : memref<!tpu.dma_semaphore, #tpu.memory_space<semaphore_mem>>
      %dma_start3A_16 = tpu.memref_slice %arg2[%add3A_4] : memref<204800xi32, #tpu.memory_space<hbm>> -> memref<128xi32, #tpu.memory_space<hbm>>
      %dma_start3A_17 = tpu.memref_slice %arg2[%add3A_4] : memref<204800xi32, #tpu.memory_space<hbm>> -> memref<128xi32, #tpu.memory_space<hbm>>
      tpu.enqueue_dma source(%dma_start3A_17 : memref<128xi32, #tpu.memory_space<hbm>>) target(%arg5 : memref<128xi32, #tpu.memory_space<vmem>>) target_semaphore(%run_scoped3A : memref<!tpu.dma_semaphore, #tpu.memory_space<semaphore_mem>>)
      %dma_wait3A = tpu.memref_slice %arg2[%add3A_4] : memref<204800xi32, #tpu.memory_space<hbm>> -> memref<128xi32, #tpu.memory_space<hbm>>
      %dma_wait3A_18 = tpu.memref_slice %arg2[%add3A_4] : memref<204800xi32, #tpu.memory_space<hbm>> -> memref<128xi32, #tpu.memory_space<hbm>>
      tpu.wait_dma2 semaphore(%run_scoped3A : memref<!tpu.dma_semaphore, #tpu.memory_space<semaphore_mem>>) src(%dma_wait3A_18 : memref<128xi32, #tpu.memory_space<hbm>>) dst(%arg5 : memref<128xi32, #tpu.memory_space<vmem>>)
      tpu.yield
    }) : () -> ()
    %dma_start3A = arith.constant 0 : i32
    %dma_start3A_5 = arith.constant 0 : i32
    %dma_start3A_6 = tpu.memref_slice %arg3[%dma_start3A, %dma_start3A_5] : memref<100000x256xf32, #tpu.memory_space<hbm>> -> memref<100000x256xf32, #tpu.memory_space<hbm>>
    tpu.enqueue_indirect_dma source(%dma_start3A_6 : memref<100000x256xf32, #tpu.memory_space<hbm>>) target(%arg7 : memref<128x256xf32, #tpu.memory_space<vmem>>) offsets(%arg5 : memref<128xi32, #tpu.memory_space<vmem>>) semaphore(%arg9 : memref<!tpu.dma_semaphore, #tpu.memory_space<semaphore_mem>>)
    %add3A_7 = arith.constant 128 : i32
    %add3A_8 = arith.addi %mul3A_2, %add3A_7 : i32
    "tpu.region"() ({
      %run_scoped3A = tpu.sem_alloc : memref<!tpu.dma_semaphore, #tpu.memory_space<semaphore_mem>>
      %dma_start3A_16 = tpu.memref_slice %arg2[%add3A_8] : memref<204800xi32, #tpu.memory_space<hbm>> -> memref<128xi32, #tpu.memory_space<hbm>>
      %dma_start3A_17 = tpu.memref_slice %arg2[%add3A_8] : memref<204800xi32, #tpu.memory_space<hbm>> -> memref<128xi32, #tpu.memory_space<hbm>>
      tpu.enqueue_dma source(%dma_start3A_17 : memref<128xi32, #tpu.memory_space<hbm>>) target(%arg6 : memref<128xi32, #tpu.memory_space<vmem>>) target_semaphore(%run_scoped3A : memref<!tpu.dma_semaphore, #tpu.memory_space<semaphore_mem>>)
      %dma_wait3A = tpu.memref_slice %arg2[%add3A_8] : memref<204800xi32, #tpu.memory_space<hbm>> -> memref<128xi32, #tpu.memory_space<hbm>>
      %dma_wait3A_18 = tpu.memref_slice %arg2[%add3A_8] : memref<204800xi32, #tpu.memory_space<hbm>> -> memref<128xi32, #tpu.memory_space<hbm>>
      tpu.wait_dma2 semaphore(%run_scoped3A : memref<!tpu.dma_semaphore, #tpu.memory_space<semaphore_mem>>) src(%dma_wait3A_18 : memref<128xi32, #tpu.memory_space<hbm>>) dst(%arg6 : memref<128xi32, #tpu.memory_space<vmem>>)
      tpu.yield
    }) : () -> ()
    %dma_start3A_9 = arith.constant 0 : i32
    %dma_start3A_10 = arith.constant 0 : i32
    %dma_start3A_11 = tpu.memref_slice %arg3[%dma_start3A_9, %dma_start3A_10] : memref<100000x256xf32, #tpu.memory_space<hbm>> -> memref<100000x256xf32, #tpu.memory_space<hbm>>
    tpu.enqueue_indirect_dma source(%dma_start3A_11 : memref<100000x256xf32, #tpu.memory_space<hbm>>) target(%arg8 : memref<128x256xf32, #tpu.memory_space<vmem>>) offsets(%arg6 : memref<128xi32, #tpu.memory_space<vmem>>) semaphore(%arg10 : memref<!tpu.dma_semaphore, #tpu.memory_space<semaphore_mem>>)
    %scan3A = arith.constant 0 : i32
    %scan3A_12 = arith.constant 50 : i32
    %scan3A_13 = arith.addi %scan3A, %scan3A_12 : i32
    %scan3A_14 = arith.constant 1 : i32
    scf.for %scan3A_16 = %scan3A to %scan3A_13 step %scan3A_14  : i32 {
      %mul3A_17 = arith.constant 1 : i32
      %mul3A_18 = arith.muli %scan3A_16, %mul3A_17 : i32
      %add3A_19 = arith.constant 0 : i32
      %add3A_20 = arith.addi %add3A_19, %mul3A_18 : i32
      %jit3A = arith.constant 2 : i32
      %eq3A = arith.constant 0 : i32
      %eq3A_21 = arith.cmpi eq, %jit3A, %eq3A : i32
      %jit3A_22 = arith.constant 1 : i32
      %select_n3A = arith.select %eq3A_21, %jit3A_22, %jit3A : i32
      %rem3A = arith.remsi %add3A_20, %select_n3A : i32
      %ne3A = arith.constant 0 : i32
      %ne3A_23 = arith.cmpi ne, %rem3A, %ne3A : i32
      %lt3A = arith.constant 0 : i32
      %lt3A_24 = arith.cmpi slt, %rem3A, %lt3A : i32
      %lt3A_25 = arith.constant 0 : i32
      %lt3A_26 = arith.cmpi slt, %select_n3A, %lt3A_25 : i32
      %ne3A_27 = arith.xori %lt3A_24, %lt3A_26 : i1
      %and3A = arith.andi %ne3A_27, %ne3A_23 : i1
      %add3A_28 = arith.addi %rem3A, %select_n3A : i32
      %select_n3A_29 = arith.select %and3A, %add3A_28, %rem3A : i32
      %eq3A_30 = arith.constant 0 : i32
      %eq3A_31 = arith.cmpi eq, %select_n3A_29, %eq3A_30 : i32
      %convert_element_type3A = arith.extui %eq3A_31 : i1 to i32
      %cond3A = arith.constant 0 : i32
      %cond3A_32 = arith.cmpi ne, %convert_element_type3A, %cond3A : i32
      scf.if %cond3A_32 {
        %dma_wait3A = arith.constant 0 : i32
        %dma_wait3A_54 = arith.constant 0 : i32
        %dma_wait3A_55 = tpu.memref_slice %arg3[%dma_wait3A, %dma_wait3A_54] : memref<100000x256xf32, #tpu.memory_space<hbm>> -> memref<100000x256xf32, #tpu.memory_space<hbm>>
        tpu.wait_indirect_dma semaphore(%arg9 : memref<!tpu.dma_semaphore, #tpu.memory_space<semaphore_mem>>) src(%dma_wait3A_55 : memref<100000x256xf32, #tpu.memory_space<hbm>>) dst(%arg7 : memref<128x256xf32, #tpu.memory_space<vmem>>)
        %mul3A_56 = arith.constant 128 : i32
        %mul3A_57 = arith.muli %add3A_20, %mul3A_56 : i32
        %add3A_58 = arith.addi %mul3A_2, %mul3A_57 : i32
        %dma_start3A_59 = arith.constant 0 : i32
        %dma_start3A_60 = tpu.memref_slice %arg4[%add3A_58, %dma_start3A_59] : memref<204800x256xf32, #tpu.memory_space<hbm>> -> memref<128x256xf32, #tpu.memory_space<hbm>>
        %dma_start3A_61 = arith.constant 0 : i32
        %dma_start3A_62 = tpu.memref_slice %arg4[%add3A_58, %dma_start3A_61] : memref<204800x256xf32, #tpu.memory_space<hbm>> -> memref<128x256xf32, #tpu.memory_space<hbm>>
        tpu.enqueue_dma source(%arg7 : memref<128x256xf32, #tpu.memory_space<vmem>>) target(%dma_start3A_62 : memref<128x256xf32, #tpu.memory_space<hbm>>) target_semaphore(%arg11 : memref<!tpu.dma_semaphore, #tpu.memory_space<semaphore_mem>>)
        %dma_wait3A_63 = arith.constant 0 : i32
        %dma_wait3A_64 = tpu.memref_slice %arg4[%add3A_58, %dma_wait3A_63] : memref<204800x256xf32, #tpu.memory_space<hbm>> -> memref<128x256xf32, #tpu.memory_space<hbm>>
        %dma_wait3A_65 = arith.constant 0 : i32
        %dma_wait3A_66 = tpu.memref_slice %arg4[%add3A_58, %dma_wait3A_65] : memref<204800x256xf32, #tpu.memory_space<hbm>> -> memref<128x256xf32, #tpu.memory_space<hbm>>
        tpu.wait_dma2 semaphore(%arg11 : memref<!tpu.dma_semaphore, #tpu.memory_space<semaphore_mem>>) src(%arg7 : memref<128x256xf32, #tpu.memory_space<vmem>>) dst(%dma_wait3A_66 : memref<128x256xf32, #tpu.memory_space<hbm>>)
        %add3A_67 = arith.constant 2 : i32
        %add3A_68 = arith.addi %add3A_20, %add3A_67 : i32
        %lt3A_69 = arith.constant 50 : i32
        %lt3A_70 = arith.cmpi slt, %add3A_68, %lt3A_69 : i32
        %convert_element_type3A_71 = arith.extui %lt3A_70 : i1 to i32
        %cond3A_72 = arith.constant 0 : i32
        %cond3A_73 = arith.cmpi ne, %convert_element_type3A_71, %cond3A_72 : i32
        scf.if %cond3A_73 {
          %add3A_74 = arith.constant 2 : i32
          %add3A_75 = arith.addi %add3A_20, %add3A_74 : i32
          %mul3A_76 = arith.constant 128 : i32
          %mul3A_77 = arith.muli %add3A_75, %mul3A_76 : i32
          %add3A_78 = arith.addi %mul3A_2, %mul3A_77 : i32
          "tpu.region"() ({
            %run_scoped3A = tpu.sem_alloc : memref<!tpu.dma_semaphore, #tpu.memory_space<semaphore_mem>>
            %dma_start3A_82 = tpu.memref_slice %arg2[%add3A_78] : memref<204800xi32, #tpu.memory_space<hbm>> -> memref<128xi32, #tpu.memory_space<hbm>>
            %dma_start3A_83 = tpu.memref_slice %arg2[%add3A_78] : memref<204800xi32, #tpu.memory_space<hbm>> -> memref<128xi32, #tpu.memory_space<hbm>>
            tpu.enqueue_dma source(%dma_start3A_83 : memref<128xi32, #tpu.memory_space<hbm>>) target(%arg5 : memref<128xi32, #tpu.memory_space<vmem>>) target_semaphore(%run_scoped3A : memref<!tpu.dma_semaphore, #tpu.memory_space<semaphore_mem>>)
            %dma_wait3A_84 = tpu.memref_slice %arg2[%add3A_78] : memref<204800xi32, #tpu.memory_space<hbm>> -> memref<128xi32, #tpu.memory_space<hbm>>
            %dma_wait3A_85 = tpu.memref_slice %arg2[%add3A_78] : memref<204800xi32, #tpu.memory_space<hbm>> -> memref<128xi32, #tpu.memory_space<hbm>>
            tpu.wait_dma2 semaphore(%run_scoped3A : memref<!tpu.dma_semaphore, #tpu.memory_space<semaphore_mem>>) src(%dma_wait3A_85 : memref<128xi32, #tpu.memory_space<hbm>>) dst(%arg5 : memref<128xi32, #tpu.memory_space<vmem>>)
            tpu.yield
          }) : () -> ()
          %dma_start3A_79 = arith.constant 0 : i32
          %dma_start3A_80 = arith.constant 0 : i32
          %dma_start3A_81 = tpu.memref_slice %arg3[%dma_start3A_79, %dma_start3A_80] : memref<100000x256xf32, #tpu.memory_space<hbm>> -> memref<100000x256xf32, #tpu.memory_space<hbm>>
          tpu.enqueue_indirect_dma source(%dma_start3A_81 : memref<100000x256xf32, #tpu.memory_space<hbm>>) target(%arg7 : memref<128x256xf32, #tpu.memory_space<vmem>>) offsets(%arg5 : memref<128xi32, #tpu.memory_space<vmem>>) semaphore(%arg9 : memref<!tpu.dma_semaphore, #tpu.memory_space<semaphore_mem>>)
        } else {
        }
      } else {
      }
      %jit3A_33 = arith.constant 2 : i32
      %eq3A_34 = arith.constant 0 : i32
      %eq3A_35 = arith.cmpi eq, %jit3A_33, %eq3A_34 : i32
      %jit3A_36 = arith.constant 1 : i32
      %select_n3A_37 = arith.select %eq3A_35, %jit3A_36, %jit3A_33 : i32
      %rem3A_38 = arith.remsi %add3A_20, %select_n3A_37 : i32
      %ne3A_39 = arith.constant 0 : i32
      %ne3A_40 = arith.cmpi ne, %rem3A_38, %ne3A_39 : i32
      %lt3A_41 = arith.constant 0 : i32
      %lt3A_42 = arith.cmpi slt, %rem3A_38, %lt3A_41 : i32
      %lt3A_43 = arith.constant 0 : i32
      %lt3A_44 = arith.cmpi slt, %select_n3A_37, %lt3A_43 : i32
      %ne3A_45 = arith.xori %lt3A_42, %lt3A_44 : i1
      %and3A_46 = arith.andi %ne3A_45, %ne3A_40 : i1
      %add3A_47 = arith.addi %rem3A_38, %select_n3A_37 : i32
      %select_n3A_48 = arith.select %and3A_46, %add3A_47, %rem3A_38 : i32
      %eq3A_49 = arith.constant 1 : i32
      %eq3A_50 = arith.cmpi eq, %select_n3A_48, %eq3A_49 : i32
      %convert_element_type3A_51 = arith.extui %eq3A_50 : i1 to i32
      %cond3A_52 = arith.constant 0 : i32
      %cond3A_53 = arith.cmpi ne, %convert_element_type3A_51, %cond3A_52 : i32
      scf.if %cond3A_53 {
        %dma_wait3A = arith.constant 0 : i32
        %dma_wait3A_54 = arith.constant 0 : i32
        %dma_wait3A_55 = tpu.memref_slice %arg3[%dma_wait3A, %dma_wait3A_54] : memref<100000x256xf32, #tpu.memory_space<hbm>> -> memref<100000x256xf32, #tpu.memory_space<hbm>>
        tpu.wait_indirect_dma semaphore(%arg10 : memref<!tpu.dma_semaphore, #tpu.memory_space<semaphore_mem>>) src(%dma_wait3A_55 : memref<100000x256xf32, #tpu.memory_space<hbm>>) dst(%arg8 : memref<128x256xf32, #tpu.memory_space<vmem>>)
        %mul3A_56 = arith.constant 128 : i32
        %mul3A_57 = arith.muli %add3A_20, %mul3A_56 : i32
        %add3A_58 = arith.addi %mul3A_2, %mul3A_57 : i32
        %dma_start3A_59 = arith.constant 0 : i32
        %dma_start3A_60 = tpu.memref_slice %arg4[%add3A_58, %dma_start3A_59] : memref<204800x256xf32, #tpu.memory_space<hbm>> -> memref<128x256xf32, #tpu.memory_space<hbm>>
        %dma_start3A_61 = arith.constant 0 : i32
        %dma_start3A_62 = tpu.memref_slice %arg4[%add3A_58, %dma_start3A_61] : memref<204800x256xf32, #tpu.memory_space<hbm>> -> memref<128x256xf32, #tpu.memory_space<hbm>>
        tpu.enqueue_dma source(%arg8 : memref<128x256xf32, #tpu.memory_space<vmem>>) target(%dma_start3A_62 : memref<128x256xf32, #tpu.memory_space<hbm>>) target_semaphore(%arg12 : memref<!tpu.dma_semaphore, #tpu.memory_space<semaphore_mem>>)
        %dma_wait3A_63 = arith.constant 0 : i32
        %dma_wait3A_64 = tpu.memref_slice %arg4[%add3A_58, %dma_wait3A_63] : memref<204800x256xf32, #tpu.memory_space<hbm>> -> memref<128x256xf32, #tpu.memory_space<hbm>>
        %dma_wait3A_65 = arith.constant 0 : i32
        %dma_wait3A_66 = tpu.memref_slice %arg4[%add3A_58, %dma_wait3A_65] : memref<204800x256xf32, #tpu.memory_space<hbm>> -> memref<128x256xf32, #tpu.memory_space<hbm>>
        tpu.wait_dma2 semaphore(%arg12 : memref<!tpu.dma_semaphore, #tpu.memory_space<semaphore_mem>>) src(%arg8 : memref<128x256xf32, #tpu.memory_space<vmem>>) dst(%dma_wait3A_66 : memref<128x256xf32, #tpu.memory_space<hbm>>)
        %add3A_67 = arith.constant 2 : i32
        %add3A_68 = arith.addi %add3A_20, %add3A_67 : i32
        %lt3A_69 = arith.constant 50 : i32
        %lt3A_70 = arith.cmpi slt, %add3A_68, %lt3A_69 : i32
        %convert_element_type3A_71 = arith.extui %lt3A_70 : i1 to i32
        %cond3A_72 = arith.constant 0 : i32
        %cond3A_73 = arith.cmpi ne, %convert_element_type3A_71, %cond3A_72 : i32
        scf.if %cond3A_73 {
          %add3A_74 = arith.constant 2 : i32
          %add3A_75 = arith.addi %add3A_20, %add3A_74 : i32
          %mul3A_76 = arith.constant 128 : i32
          %mul3A_77 = arith.muli %add3A_75, %mul3A_76 : i32
          %add3A_78 = arith.addi %mul3A_2, %mul3A_77 : i32
          "tpu.region"() ({
            %run_scoped3A = tpu.sem_alloc : memref<!tpu.dma_semaphore, #tpu.memory_space<semaphore_mem>>
            %dma_start3A_82 = tpu.memref_slice %arg2[%add3A_78] : memref<204800xi32, #tpu.memory_space<hbm>> -> memref<128xi32, #tpu.memory_space<hbm>>
            %dma_start3A_83 = tpu.memref_slice %arg2[%add3A_78] : memref<204800xi32, #tpu.memory_space<hbm>> -> memref<128xi32, #tpu.memory_space<hbm>>
            tpu.enqueue_dma source(%dma_start3A_83 : memref<128xi32, #tpu.memory_space<hbm>>) target(%arg6 : memref<128xi32, #tpu.memory_space<vmem>>) target_semaphore(%run_scoped3A : memref<!tpu.dma_semaphore, #tpu.memory_space<semaphore_mem>>)
            %dma_wait3A_84 = tpu.memref_slice %arg2[%add3A_78] : memref<204800xi32, #tpu.memory_space<hbm>> -> memref<128xi32, #tpu.memory_space<hbm>>
            %dma_wait3A_85 = tpu.memref_slice %arg2[%add3A_78] : memref<204800xi32, #tpu.memory_space<hbm>> -> memref<128xi32, #tpu.memory_space<hbm>>
            tpu.wait_dma2 semaphore(%run_scoped3A : memref<!tpu.dma_semaphore, #tpu.memory_space<semaphore_mem>>) src(%dma_wait3A_85 : memref<128xi32, #tpu.memory_space<hbm>>) dst(%arg6 : memref<128xi32, #tpu.memory_space<vmem>>)
            tpu.yield
          }) : () -> ()
          %dma_start3A_79 = arith.constant 0 : i32
          %dma_start3A_80 = arith.constant 0 : i32
          %dma_start3A_81 = tpu.memref_slice %arg3[%dma_start3A_79, %dma_start3A_80] : memref<100000x256xf32, #tpu.memory_space<hbm>> -> memref<100000x256xf32, #tpu.memory_space<hbm>>
          tpu.enqueue_indirect_dma source(%dma_start3A_81 : memref<100000x256xf32, #tpu.memory_space<hbm>>) target(%arg8 : memref<128x256xf32, #tpu.memory_space<vmem>>) offsets(%arg6 : memref<128xi32, #tpu.memory_space<vmem>>) semaphore(%arg10 : memref<!tpu.dma_semaphore, #tpu.memory_space<semaphore_mem>>)
        } else {
        }
      } else {
      }
    }
    %scan3A_15 = arith.constant 50 : i32
    return
  }
}

module attributes {stable_mosaic.version = 14 : i64} {
  func.func @body(%arg0: i32, %arg1: memref<2000x162xf32, #tpu.memory_space<vmem>>, %arg2: memref<2000x256xf32, #tpu.memory_space<vmem>>) attributes {dimension_semantics = [#tpu.dimension_semantics<arbitrary>], iteration_bounds = array<i64: 50>, scalar_prefetch = 0 : i64, scratch_operands = 0 : i64, tpu.core_type = #tpu.core_type<tc>, window_params = [{transform_indices = @transform_0, window_bounds = array<i64: 2000, 162>}, {transform_indices = @transform_1, window_bounds = array<i64: 2000, 256>}]} {
    %get3A = arith.constant 0 : index
    %get3A_0 = arith.constant 0 : index
    %get3A_1 = vector.load %arg1[%get3A, %get3A_0] : memref<2000x162xf32, #tpu.memory_space<vmem>>, vector<2000x162xf32>
    %swap3A = arith.constant 0 : index
    %swap3A_2 = arith.constant 0 : index
    %swap3A_3 = vector.load %arg2[%swap3A, %swap3A_2] : memref<2000x256xf32, #tpu.memory_space<vmem>>, vector<2000x162xf32>
    tpu.vector_store %arg2[%swap3A, %swap3A_2], %get3A_1 {strides = array<i32>} : memref<2000x256xf32, #tpu.memory_space<vmem>>, vector<2000x162xf32>,
    %broadcast_in_dim3A = arith.constant 0.000000e+00 : f32
    %broadcast_in_dim3A_4 = vector.broadcast %broadcast_in_dim3A : f32 to vector<2000x94xf32>
    %swap3A_5 = arith.constant 0 : index
    %swap3A_6 = arith.constant 162 : index
    %swap3A_7 = vector.load %arg2[%swap3A_5, %swap3A_6] : memref<2000x256xf32, #tpu.memory_space<vmem>>, vector<2000x94xf32>
    tpu.vector_store %arg2[%swap3A_5, %swap3A_6], %broadcast_in_dim3A_4 {strides = array<i32>} : memref<2000x256xf32, #tpu.memory_space<vmem>>, vector<2000x94xf32>,
    return
  }
  func.func @transform_0(%arg0: i32) -> (i32, i32) {
    %c0_i32 = arith.constant 0 : i32
    %c0_i32_0 = arith.constant 0 : i32
    return %arg0, %c0_i32 : i32, i32
  }
  func.func @transform_1(%arg0: i32) -> (i32, i32) {
    %c0_i32 = arith.constant 0 : i32
    %c0_i32_0 = arith.constant 0 : i32
    return %arg0, %c0_i32 : i32, i32
  }
}

</mosaic_0001>

<sc_bundles>
// kernel: kernel.4.cloned.1.call-start
scs
__scs_entry_jumppad:
0x0: {  	(pc) =	sbr.rel $0x88, $3  }
0x1: {  	(tag) =	ssettag $0x0;
	lr =	simm.s32 $0x1  }
0x2: {  	[smem:$0x3F9F] =	sst lr;
	_ =	strace $0xD0000000  }
0x3: {  	_ = 	snop  }
0x4: {  	_ = 	snop  }
0x5: {  	_ = 	snop  }
0x6: {  	_ = 	snop  }
0x7: {  	_ = 	snop  }
__scs_overlays_trampoline_lowered:
0x8: {  	[smem:$0x3FAE] =	sst s0  }
0x9: {  	[smem:$0x3FAF] =	sst s1  }
0xa: {  	[smem:$0x3FB0] =	sst s2  }
0xb: {  	[smem:$0x3FB1] =	sst s3  }
0xc: {  	[smem:$0x3FB2] =	sst s4  }
0xd: {  	[smem:$0x3FB3] =	sst s5  }
0xe: {  	[smem:$0x3FB4] =	sst s6  }
0xf: {  	[smem:$0x3FB5] =	sst s7  }
0x10: {  	[smem:$0x3FB6] =	sst s8  }
0x11: {  	[smem:$0x3FB7] =	sst s9;
	s0 =	simm.s32 @!p0 $0x0  }
0x12: {  	s1 =	sld [smem:$0x3F9D];
	s0 =	simm.s32 @p0 $0x1  }
0x13: {  	[smem:$0x3FB8] =	sst s0;
	s0 =	simm.s32 @!p1 $0x0  }
0x14: {  	s2 =	sld [smem:$0x3F9C];
	s0 =	simm.s32 @p1 $0x1  }
0x15: {  	[smem:$0x3FB9] =	sst s0;
	s0 =	simm.s32 @!p2 $0x0  }
0x16: {  	s3 =	sld [smem:$0x3FDB];
	s0 =	simm.s32 @p2 $0x1  }
0x17: {  	s4 =	simm.s32 $0x1BF5;
	[smem:$0x3FBB] =	sst s0  }
0x18: {  	s0 =	sld [smem:$0x3F9E];
	_ =	swait.ge [sflag:s4], $0x0  }
0x19: {  	s7 =	sld [smem:$0x3F9F]  }
0x1a: {  	s8 =	sadd.s32 $0xFFFFE003, lr  }
0x1b: {  	s9 =	sadd.s32 $0xFFFFFEF7, lr;
	s5 =	simm.s32 $0xFFFFFFFF;
	p2 =	slt.u32 s8, $0xFFFFF086  }
0x1c: {  	p1 =	slt.u32 s9, $0xF7A;
	s5 =	simm.s32 @!p2 $0x0  }
0x1d: {  	s5 =	simm.s32 @p1 $0x1;
	p0 =	seq.s32 s7, s2  }
0x1e: {  	s7 =	smul.u32 @!p0 $0xF7A, s2;
	p2 =	seq.s32 @!p0 s5, $0x0  }
0x1f: {  	s9 =	smul.u32 $0xF7A, s1;
	s8 =	simm.s32 @!p0 $0x1BF5;
	p2 =	por !p2, p0  }
0x20: {  	[sflag:s8] =	ssyncset.s32 @!p0 $0xFFFFF086;
	s6 =	sadd.s32 @!p0 s3, s7;
	s7 =	simm.s32 @!p0 $0x108  }
0x21: {  	s3 =	sadd.s32 s3, s9;
	s6 =	sadd.s32 @!p0 $0x88, s6;
	s7 =	simm.s32 @p2 $0x1082  }
0x22: {  	[simem:s7], [sflag:s8] =	dma.local @!p0 [hbm:s6], $0xF7A  }
0x23: {  	s9 =	sor.u32 $0xD0000000, s2;
	s6 =	simm.s32 $0x108;
	_ =	swait.ge @!p0 [sflag:s8], $0x0  }
0x24: {  	s3 =	sadd.s32 $0x88, s3;
	s6 =	simm.s32 @!p1 $0x1082;
	[sflag:s4] =	ssyncset.s32 $0xFFFFF086  }
0x25: {  	[simem:s6], [sflag:s4] =	dma.local [hbm:s3], $0xF7A  }
0x26: {  	[smem:$0x3F9F] =	sst s1;
	(tag) =	ssettag s2;
	_ =	strace s9  }
0x27: {  	s1 =	sld [smem:$0x3FAF]  }
0x28: {  	s2 =	sld [smem:$0x3FB0]  }
0x29: {  	s4 =	sld [smem:$0x3FB2]  }
0x2a: {  	p0 =	seq.s32 s5, $0x0;
	s5 =	sld [smem:$0x3FB3]  }
0x2b: {  	s6 =	sld [smem:$0x3FB4]  }
0x2c: {  	s7 =	sld [smem:$0x3FB5]  }
0x2d: {  	s3 =	simm.s32 $0x108;
	s8 =	sld [smem:$0x3FB6]  }
0x2e: {  	s3 =	simm.s32 @!p0 $0x1082;
	s9 =	sld [smem:$0x3FB7]  }
0x2f: {  	lr =	sadd.s32 s0, s3;
	s0 =	sld [smem:$0x3FAE]  }
0x30: {  	s3 =	sld [smem:$0x3FB1]  }
0x31: {  	[smem:$0x3FBA] =	sst s10  }
0x32: {  	s10 =	sld [smem:$0x3FB8];
	_ =	sdelay $0x3  }
0x33: {  	p0 =	seq.s32 s10, $0x1;
	s10 =	sld [smem:$0x3FBA];
	_ =	sdelay $0x3  }
0x34: {  	[smem:$0x3FBA] =	sst s10  }
0x35: {  	s10 =	sld [smem:$0x3FB9];
	_ =	sdelay $0x3  }
0x36: {  	p1 =	seq.s32 s10, $0x1;
	s10 =	sld [smem:$0x3FBA];
	_ =	sdelay $0x3  }
0x37: {  	[smem:$0x3FBA] =	sst s10  }
0x38: {  	s10 =	sld [smem:$0x3FBB]  }
0x39: {  	_ = 	snop;
	(pc) =	sbr.ind lr, $3  }
0x3a: {  	_ = 	snop  }
0x3b: {  	_ = 	snop  }
0x3c: {  	p2 =	seq.s32 s10, $0x1;
	s10 =	sld [smem:$0x3FBA]  }
0x3d: {  	_ =	shalt  }
0x3e: {  	_ =	shalt  }
0x3f: {  	_ =	shalt  }
0x40: {  	_ =	shalt  }
0x41: {  	_ =	shalt  }
0x42: {  	_ =	shalt  }
0x43: {  	_ =	shalt  }
0x44: {  	_ =	shalt  }
0x45: {  	_ =	shalt  }
0x46: {  	_ =	shalt  }
0x47: {  	_ =	shalt  }
0x48: {  	_ =	shalt  }
0x49: {  	_ =	shalt  }
0x4a: {  	_ =	shalt  }
0x4b: {  	_ =	shalt  }
0x4c: {  	_ =	shalt  }
0x4d: {  	_ =	shalt  }
0x4e: {  	_ =	shalt  }
0x4f: {  	_ =	shalt  }
0x50: {  	_ =	shalt  }
0x51: {  	_ =	shalt  }
0x52: {  	_ =	shalt  }
0x53: {  	_ =	shalt  }
0x54: {  	_ =	shalt  }
0x55: {  	_ =	shalt  }
0x56: {  	_ =	shalt  }
0x57: {  	_ =	shalt  }
0x58: {  	_ =	shalt  }
0x59: {  	_ =	shalt  }
0x5a: {  	_ =	shalt  }
0x5b: {  	_ =	shalt  }
0x5c: {  	_ =	shalt  }
0x5d: {  	_ =	shalt  }
0x5e: {  	_ =	shalt  }
0x5f: {  	_ =	shalt  }
0x60: {  	_ =	shalt  }
0x61: {  	_ =	shalt  }
0x62: {  	_ =	shalt  }
0x63: {  	_ =	shalt  }
0x64: {  	_ =	shalt  }
0x65: {  	_ =	shalt  }
0x66: {  	_ =	shalt  }
0x67: {  	_ =	shalt  }
0x68: {  	_ =	shalt  }
0x69: {  	_ =	shalt  }
0x6a: {  	_ =	shalt  }
0x6b: {  	_ =	shalt  }
0x6c: {  	_ =	shalt  }
0x6d: {  	_ =	shalt  }
0x6e: {  	_ =	shalt  }
0x6f: {  	_ =	shalt  }
0x70: {  	_ =	shalt  }
0x71: {  	_ =	shalt  }
0x72: {  	_ =	shalt  }
0x73: {  	_ =	shalt  }
0x74: {  	_ =	shalt  }
0x75: {  	_ =	shalt  }
0x76: {  	_ =	shalt  }
0x77: {  	_ =	shalt  }
0x78: {  	_ =	shalt  }
0x79: {  	_ =	shalt  }
0x7a: {  	_ =	shalt  }
0x7b: {  	_ =	shalt  }
0x7c: {  	_ =	shalt  }
0x7d: {  	_ =	shalt  }
0x7e: {  	_ =	shalt  }
0x7f: {  	_ =	shalt  }
0x80: {  	_ =	shalt  }
0x81: {  	_ =	shalt  }
0x82: {  	_ =	shalt  }
0x83: {  	_ =	shalt  }
0x84: {  	_ =	shalt  }
0x85: {  	_ =	shalt  }
0x86: {  	_ =	shalt  }
0x87: {  	_ =	shalt  }
.Lfunc_end0:
.L_simem_size_0:
called_computation.1_lowered:
.L_overlay_start_0:
0x88: {  	s2 =	sld [smem:$0x3FD9]  }
0x89: {  	s3 =	sld [smem:$0x3FFE];
	_ =	sdelay $0x1  }
0x8a: {  	s1 =	srdreg.scid  }
0x8b: {  	s0 =	sand.u32 $0x1, s1  }
0x8c: {  	s16 =	sshll.u32 s0, $0xA;
	s2 =	sadd.s32 s3, s2  }
0x8d: {  	s2 =	sadd.s32 s2, s16  }
0x8e: {  	[smem:$0x3FC6] =	sst s2  }
0x8f: {  	_ = 	snop  }
0x90: {  	(tm) =	ssettm $0x1  }
0x91: {  	s17 =	sld [smem:$0x3FFB];
	_ =	sdelay $0x3  }
0x92: {  	_ =	strace s17  }
0x93: {  	s2 =	sld [smem:$0x3FFC];
	_ =	sdelay $0x3  }
0x94: {  	_ =	strace s2  }
0x95: {  	s2 =	sld [smem:$0x3FFD];
	_ =	sdelay $0x3  }
0x96: {  	_ =	strace s2  }
0x97: {  	_ =	strace $0x8FFFFFFF  }
0x98: {  	s18 =	sld [smem:$0x3FDB];
	_ =	sdelay $0x1  }
0x99: {  	s19 =	simm.s32 $_scs_section_size  }
0x9a: {  	s4 =	simm.s32 $_size__tile_overlayer_lowered;
	s5 =	simm.s32 $_tile_overlayer_lowered  }
0x9b: {  	s22 =	simm.s32 $0x1BFF;
	s21 =	sshll.u32 s5, $0x1;
	s2 =	sadd.s32 s19, s18  }
0x9c: {  	s6 =	simm.s32 $0x0;
	s20 =	sshll.u32 s4, $0x1;
	s4 =	sadd.s32 s21, s2  }
0x9d: {  	[timem:s6], [sflag:s22] =	dma.local [hbm:s4], s20  }
0x9e: {  	_ =	swait.ge [sflag:s22], s20  }
0x9f: {  	s3 =	ssub.s32 $0x0, s20;
	[sflag:s22] =	ssyncset.done $0x0  }
0xa0: {  	[sflag:s22] =	ssyncadd.s32 s3;
	_ =	sdelay $0x1  }
0xa1: {  	s23 =	simm.s32 $0x1B8B  }
0xa2: {  	_ =	swait.ge [sflag:s23], $0x1  }
0xa3: {  	[sflag:s23] =	ssyncset.done $0x0  }
0xa4: {  	s25 =	simm.s32 $0x1B8E;
	s24 =	sld [smem:$0x3FFE];
	[sflag:s23] =	ssyncadd.s32 $0xFFFFFFFF  }
0xa5: {  	s26 =	simm.s32 $execute0_lowered;
	[smem:$0x3FD2] =	sst s25  }
0xa6: {  	s4 =	sshll.u32 s26, $0x1;
	_ =	strace $0x80000046;
	[dreg:$0x1] =	wrdreg $0xFFFFFFFF  }
0xa7: {  	s28 =	simm.s32 $_size_execute0_lowered;
	s2 =	sadd.s32 s2, s4;
	[dreg:$0x0] =	wrdreg $0x0  }
0xa8: {  	s4 =	sshll.u32 s28, $0x1;
	[dreg:$0x2] =	wrdreg s2  }
0xa9: {  	[dreg:$0x3] =	wrdreg s4  }
0xaa: {  	[dreg:$0x4] =	wrdreg $0xC0  }
0xab: {  	_ =	task [dreg:s6], $0x5FFFF  }
0xac: {  	[dreg:$0x1] =	wrdreg $0xFFFFFFFF  }
0xad: {  	[dreg:$0x0] =	wrdreg $0x60  }
0xae: {  	[dreg:$0x2] =	wrdreg s24  }
0xaf: {  	[dreg:$0x3] =	wrdreg $0x9  }
0xb0: {  	_ =	task.clear_ibuf [dreg:s6], $0x4FFFF;
	_ =	strace $0x90000046  }
0xb1: {  	s29 =	simm.s32 $0x9;
	_ =	strace $0x80000048  }
0xb2: {  	_ =	swait.ge [sflag:s29], $0x1  }
0xb3: {  	[sflag:s29] =	ssyncadd.s32 $0xFFFFFFFF  }
0xb4: {  	_ =	strace $0x90000048  }
0xb5: {  	_ =	sfence  }
0xb6: {  	s30 =	sld [smem:$0x0];
	_ =	sdelay $0x2  }
0xb7: {  	s31 =	sshll.u32 s1, $0xD;
	s1 =	sshrl.u32 s1, $0x2  }
0xb8: {  	s3 =	sand.u32 $0x4000, s31;
	s1 =	sadd.s32 s1, s30  }
0xb9: {  	s0 =	sor.u32 s3, s0;
	s1 =	sshll.u32 s1, $0x11  }
0xba: {  	s0 =	sor.u32 s1, s0  }
0xbb: {  	s0 =	sadd.s32 $0x8F2B, s0  }
0xbc: {  	[sflag:s0] =	ssyncadd.remote.s32 $0x1  }
0xbd: {  	_ =	sfence.sel $0xFFFF  }
0xbe: {  	[dreg:$0x0] =	wrdreg $0xFFFFFFFF;
	(pc) =	sbr.abs _section_cstart, $3  }
0xbf: {  	[dreg:$0x1] =	wrdreg $0xFFFFFFFF  }
0xc0: {  	_ =	task.clear_ibuf [dreg:s6], $0x2FFFF;
	_ =	strace $0x9FFFFFFF  }
0xc1: {  	(tm) =	ssettm $0x7FFFFFFF  }
tec
execute0_lowered:
.L_overlay_start_1:
0x0: {  	(tag) =	ssettag $0x1  }
0x1: {  	s0 =	srdreg.scid  }
0x2: {  	s10 =	stileid.u32;
	s1 =	rddreg [dreg:$0x0]  }
0x3: {  	s2 =	simm.s32 $0x0;
	s12 =	simm.s32 $0x100;
	s30 =	simm.s32 $0x8100  }
0x4: {  	s13 =	simm.s32 $0xC900;
	s14 =	simm.s32 $0xD100;
	s15 =	simm.s32 $0xD900  }
0x5: {  	s16 =	simm.s32 $0xE100;
	s17 =	simm.s32 $0xE900;
	s18 =	simm.s32 $0xF100  }
0x6: {  	s19 =	simm.s32 $0xF900;
	s20 =	simm.s32 $0x2;
	s21 =	simm.s32 $0x4  }
0x7: {  	s22 =	simm.s32 $0x1;
	s23 =	simm.s32 $0x3;
	s0 =	sand.u32 $0x1, s0  }
0x8: {  	s3 =	sshll.u32 s10, $0x1;
	[smem:$0x7FF] =	sst s2;
	s7 =	smul.u32 $0x3200, s10  }
0x9: {  	s8 =	sadd.s32 $0x800, s1;
	s4 =	sadd.s32 $0x314000, s1;
	s10 =	smul.u32 $0x320000, s10  }
0xa: {  	s5 =	sor.u32 s0, s3;
	s9 =	smul.u32 $0x1900, s0;
	s24 =	ssub.s32 $0x2, s0  }
0xb: {  	_ =	strace $0x80000047;
	s0 =	smul.u32 $0x190000, s0;
	s11 =	sshrl.u32 s24, $0x1  }
0xc: {  	s3 =	sadd.s32 $0x6C00, s1;
	s6 =	smul.u32 $0x1900, s5;
	s1 =	ssub.s32 s24, s11  }
0xd: {  	s26 =	sadd.s32 s9, s7;
	s0 =	sadd.s32 s0, s10;
	s7 =	smul.u32 $0x190000, s5  }
0xe: {  	s11 =	simm.s32 $0x5;
	s9 =	simm.s32 $0xB100;
	s5 =	simm.s32 $0xB900  }
0xf: {  	s10 =	simm.s32 $0xC100;
	s24 =	simm.s32 $0x0;
	s6 =	sshrl.u32 s6, $0x3  }
0x10: {  	s0 =	sshrl.u32 s0, $0x3;
	s1 =	smax.u32 s1, $0x1;
	s25 =	sadd.s32 s8, s6  }
.Ltmp0:
0x11: {  	s6 =	sadd.s32 $0x100, s26;
	[dreg:$0x4] =	wrdreg s1;
	(pc) =	sbr.rel .LBB2_1-.Ltmp0, $4  }
0x12: {  	s0 =	sadd.s32 s0, s4;
	s1 =	simm.s32 $0x9100;
	[dreg:$0x2] =	wrdreg s25  }
0x13: {  	v2 =	vlaneseq.u32;
	s28 =	sadd.s32 $0x10, s25;
	s29 =	sshrl.u32 s6, $0x3;
	[dreg:$0x6] =	wrdreg s0  }
0x14: {  	vm0 =	vmmov $0xffff;
	v1 =	vshrl.u32 v2, $0x3;
	s0 =	simm.s32 $0x9900;
	[dreg:$0x3] =	wrdreg s28;
	s31 =	sadd.s32 s29, s8  }
0x15: {  	v0 =	vand.u32 $0x7, v2;
	v2 =	vor.u32 $0x8, v2;
	v1 =	vmul.u32 $0x8, v1;
	s6 =	simm.s32 $0xA100;
	s8 =	simm.s32 $0xA900;
	[dreg:$0x5] =	wrdreg s31  }
.LBB2_10:
0x16: {  	s24 =	sadd.s32 $0x1, s24;
	s25 =	rddreg [dreg:$0x4]  }
0x17: {  	p0 =	sne.s32 s24, s25  }
.Ltmp1:
0x18: {  	_ = 	snop;
	(pc) =	sbr.rel @!p0 .LBB2_11-.Ltmp1, $1  }
0x19: {  	_ =	sdelay $0x3  }
.LBB2_1:
0x1a: {  	s25 =	rddreg [dreg:$0x2]  }
0x1b: {  	[tilespmem:s2], [sflag:$0x5] =	stream.linear.gather [hbm4b:s25+s2], $0x80, $0x38;
	[tilespmem:$0x10100] =	vst v63  }
0x1c: {  	_ =	swait.ge [sflag:s11], $0x80  }
0x1d: {  	[sflag:s11] =	ssyncset.done $0x0  }
0x1e: {  	[sflag:s11] =	ssyncadd.s32 $0xFFFFFF80  }
0x1f: {  	v3 =	vld [tilespmem:$0x0];
	_ =	sdelay $0x4  }
0x20: {  	v4 =	vshll.u32 v3, $0x1  }
0x21: {  	v3 =	vand.u32 $0x7, v3;
	v4 =	vand.u32 $0xFFFFFFF0, v4  }
0x22: {  	v3 =	vor.u32 v3, v4  }
0x23: {  	v4 =	vperm.xlane v3, v0;
	_ =	sdelay $0x1  }
0x24: {  	v3 =	vperm.xlane v3, v2;
	v4 =	vadd.s32 v1, v4;
	_ =	sdelay $0x1  }
0x25: {  	v3 =	vadd.s32 v1, v3;
	_ =	sdelay $0x2  }
0x26: {  	[tilespmem:s12], [sflag:$0x1] =	stream.indirect_vreg.gather [hbm4b:s3+s2], $0x80, v4, vm0, $0xb8;
	[tilespmem:$0x10100] =	vst v63  }
0x27: {  	s26 =	simm.s32 $0x900  }
0x28: {  	[tilespmem:s26], [sflag:$0x1] =	stream.indirect_vreg.gather [hbm4b:s3+s2], $0x80, v3, vm0, $0xb8;
	[tilespmem:$0x10100] =	vst v63  }
0x29: {  	v3 =	vld [tilespmem:$0x10];
	_ =	sdelay $0x4  }
0x2a: {  	v49 =	vshll.u32 v3, $0x1  }
0x2b: {  	v3 =	vand.u32 $0x7, v3;
	v4 =	vand.u32 $0xFFFFFFF0, v49  }
0x2c: {  	v3 =	vor.u32 v3, v4  }
0x2d: {  	v4 =	vperm.xlane v3, v0;
	_ =	sdelay $0x1  }
0x2e: {  	v3 =	vperm.xlane v3, v2;
	v4 =	vadd.s32 v1, v4;
	_ =	sdelay $0x1  }
0x2f: {  	v3 =	vadd.s32 v1, v3;
	_ =	sdelay $0x1  }
0x30: {  	s29 =	simm.s32 $0x1100  }
0x31: {  	[tilespmem:s29], [sflag:$0x1] =	stream.indirect_vreg.gather [hbm4b:s3+s2], $0x80, v4, vm0, $0xb8;
	[tilespmem:$0x10100] =	vst v63  }
0x32: {  	s26 =	simm.s32 $0x1900  }
0x33: {  	[tilespmem:s26], [sflag:$0x1] =	stream.indirect_vreg.gather [hbm4b:s3+s2], $0x80, v3, vm0, $0xb8;
	[tilespmem:$0x10100] =	vst v63  }
0x34: {  	v3 =	vld [tilespmem:$0x20];
	_ =	sdelay $0x4  }
0x35: {  	v50 =	vshll.u32 v3, $0x1  }
0x36: {  	v3 =	vand.u32 $0x7, v3;
	v4 =	vand.u32 $0xFFFFFFF0, v50  }
0x37: {  	v3 =	vor.u32 v3, v4  }
0x38: {  	v4 =	vperm.xlane v3, v0;
	_ =	sdelay $0x1  }
0x39: {  	v3 =	vperm.xlane v3, v2;
	v4 =	vadd.s32 v1, v4;
	_ =	sdelay $0x1  }
0x3a: {  	v3 =	vadd.s32 v1, v3;
	_ =	sdelay $0x1  }
0x3b: {  	s29 =	simm.s32 $0x2100  }
0x3c: {  	[tilespmem:s29], [sflag:$0x1] =	stream.indirect_vreg.gather [hbm4b:s3+s2], $0x80, v4, vm0, $0xb8;
	[tilespmem:$0x10100] =	vst v63  }
0x3d: {  	s26 =	simm.s32 $0x2900  }
0x3e: {  	[tilespmem:s26], [sflag:$0x1] =	stream.indirect_vreg.gather [hbm4b:s3+s2], $0x80, v3, vm0, $0xb8;
	[tilespmem:$0x10100] =	vst v63  }
0x3f: {  	v3 =	vld [tilespmem:$0x30];
	_ =	sdelay $0x4  }
0x40: {  	v51 =	vshll.u32 v3, $0x1  }
0x41: {  	v3 =	vand.u32 $0x7, v3;
	v4 =	vand.u32 $0xFFFFFFF0, v51  }
0x42: {  	v3 =	vor.u32 v3, v4  }
0x43: {  	v4 =	vperm.xlane v3, v0;
	_ =	sdelay $0x1  }
0x44: {  	v3 =	vperm.xlane v3, v2;
	v4 =	vadd.s32 v1, v4;
	_ =	sdelay $0x1  }
0x45: {  	v3 =	vadd.s32 v1, v3;
	_ =	sdelay $0x1  }
0x46: {  	s29 =	simm.s32 $0x3100  }
0x47: {  	[tilespmem:s29], [sflag:$0x1] =	stream.indirect_vreg.gather [hbm4b:s3+s2], $0x80, v4, vm0, $0xb8;
	[tilespmem:$0x10100] =	vst v63  }
0x48: {  	s26 =	simm.s32 $0x3900  }
0x49: {  	[tilespmem:s26], [sflag:$0x1] =	stream.indirect_vreg.gather [hbm4b:s3+s2], $0x80, v3, vm0, $0xb8;
	[tilespmem:$0x10100] =	vst v63  }
0x4a: {  	v3 =	vld [tilespmem:$0x40];
	_ =	sdelay $0x4  }
0x4b: {  	v52 =	vshll.u32 v3, $0x1  }
0x4c: {  	v3 =	vand.u32 $0x7, v3;
	v4 =	vand.u32 $0xFFFFFFF0, v52  }
0x4d: {  	v3 =	vor.u32 v3, v4  }
0x4e: {  	v4 =	vperm.xlane v3, v0;
	_ =	sdelay $0x1  }
0x4f: {  	v3 =	vperm.xlane v3, v2;
	v4 =	vadd.s32 v1, v4;
	_ =	sdelay $0x1  }
0x50: {  	v3 =	vadd.s32 v1, v3;
	_ =	sdelay $0x1  }
0x51: {  	s29 =	simm.s32 $0x4100  }
0x52: {  	[tilespmem:s29], [sflag:$0x1] =	stream.indirect_vreg.gather [hbm4b:s3+s2], $0x80, v4, vm0, $0xb8;
	[tilespmem:$0x10100] =	vst v63  }
0x53: {  	s26 =	simm.s32 $0x4900  }
0x54: {  	[tilespmem:s26], [sflag:$0x1] =	stream.indirect_vreg.gather [hbm4b:s3+s2], $0x80, v3, vm0, $0xb8;
	[tilespmem:$0x10100] =	vst v63  }
0x55: {  	v3 =	vld [tilespmem:$0x50];
	_ =	sdelay $0x4  }
0x56: {  	v53 =	vshll.u32 v3, $0x1  }
0x57: {  	v3 =	vand.u32 $0x7, v3;
	v4 =	vand.u32 $0xFFFFFFF0, v53  }
0x58: {  	v3 =	vor.u32 v3, v4  }
0x59: {  	v4 =	vperm.xlane v3, v0;
	_ =	sdelay $0x1  }
0x5a: {  	v3 =	vperm.xlane v3, v2;
	v4 =	vadd.s32 v1, v4;
	_ =	sdelay $0x1  }
0x5b: {  	v3 =	vadd.s32 v1, v3;
	_ =	sdelay $0x1  }
0x5c: {  	s29 =	simm.s32 $0x5100  }
0x5d: {  	[tilespmem:s29], [sflag:$0x1] =	stream.indirect_vreg.gather [hbm4b:s3+s2], $0x80, v4, vm0, $0xb8;
	[tilespmem:$0x10100] =	vst v63  }
0x5e: {  	s26 =	simm.s32 $0x5900  }
0x5f: {  	[tilespmem:s26], [sflag:$0x1] =	stream.indirect_vreg.gather [hbm4b:s3+s2], $0x80, v3, vm0, $0xb8;
	[tilespmem:$0x10100] =	vst v63  }
0x60: {  	v3 =	vld [tilespmem:$0x60];
	_ =	sdelay $0x4  }
0x61: {  	v54 =	vshll.u32 v3, $0x1  }
0x62: {  	v3 =	vand.u32 $0x7, v3;
	v4 =	vand.u32 $0xFFFFFFF0, v54  }
0x63: {  	v3 =	vor.u32 v3, v4  }
0x64: {  	v4 =	vperm.xlane v3, v0;
	_ =	sdelay $0x1  }
0x65: {  	v3 =	vperm.xlane v3, v2;
	v4 =	vadd.s32 v1, v4;
	_ =	sdelay $0x1  }
0x66: {  	v3 =	vadd.s32 v1, v3;
	_ =	sdelay $0x1  }
0x67: {  	s29 =	simm.s32 $0x6100  }
0x68: {  	[tilespmem:s29], [sflag:$0x1] =	stream.indirect_vreg.gather [hbm4b:s3+s2], $0x80, v4, vm0, $0xb8;
	[tilespmem:$0x10100] =	vst v63  }
0x69: {  	s26 =	simm.s32 $0x6900  }
0x6a: {  	[tilespmem:s26], [sflag:$0x1] =	stream.indirect_vreg.gather [hbm4b:s3+s2], $0x80, v3, vm0, $0xb8;
	[tilespmem:$0x10100] =	vst v63  }
0x6b: {  	v3 =	vld [tilespmem:$0x70];
	_ =	sdelay $0x4  }
0x6c: {  	v55 =	vshll.u32 v3, $0x1  }
0x6d: {  	v3 =	vand.u32 $0x7, v3;
	v4 =	vand.u32 $0xFFFFFFF0, v55  }
0x6e: {  	v3 =	vor.u32 v3, v4  }
0x6f: {  	v4 =	vperm.xlane v3, v0;
	_ =	sdelay $0x1  }
0x70: {  	v3 =	vperm.xlane v3, v2;
	v4 =	vadd.s32 v1, v4;
	_ =	sdelay $0x1  }
0x71: {  	v3 =	vadd.s32 v1, v3;
	_ =	sdelay $0x1  }
0x72: {  	s29 =	simm.s32 $0x7100  }
0x73: {  	[tilespmem:s29], [sflag:$0x1] =	stream.indirect_vreg.gather [hbm4b:s3+s2], $0x80, v4, vm0, $0xb8;
	[tilespmem:$0x10100] =	vst v63  }
0x74: {  	s26 =	simm.s32 $0x7900  }
0x75: {  	[tilespmem:s26], [sflag:$0x1] =	stream.indirect_vreg.gather [hbm4b:s3+s2], $0x80, v3, vm0, $0xb8;
	[tilespmem:$0x10100] =	vst v63  }
0x76: {  	s29 =	rddreg [dreg:$0x3];
	s26 =	simm.s32 $0x80  }
0x77: {  	[tilespmem:s26], [sflag:$0x5] =	stream.linear.gather [hbm4b:s29+s2], $0x80, $0x38;
	[tilespmem:$0x10100] =	vst v63  }
0x78: {  	_ =	swait.ge [sflag:s11], $0x80  }
0x79: {  	[sflag:s11] =	ssyncset.done $0x0  }
0x7a: {  	[sflag:s11] =	ssyncadd.s32 $0xFFFFFF80  }
0x7b: {  	v3 =	vld [tilespmem:$0x80];
	_ =	sdelay $0x4  }
0x7c: {  	v56 =	vshll.u32 v3, $0x1  }
0x7d: {  	v3 =	vand.u32 $0x7, v3;
	v4 =	vand.u32 $0xFFFFFFF0, v56  }
0x7e: {  	v3 =	vor.u32 v3, v4  }
0x7f: {  	v4 =	vperm.xlane v3, v0;
	_ =	sdelay $0x1  }
0x80: {  	v3 =	vperm.xlane v3, v2;
	v4 =	vadd.s32 v1, v4;
	_ =	sdelay $0x1  }
0x81: {  	v3 =	vadd.s32 v1, v3;
	_ =	sdelay $0x2  }
0x82: {  	[tilespmem:s30], [sflag:$0x2] =	stream.indirect_vreg.gather [hbm4b:s3+s2], $0x80, v4, vm0, $0xb8;
	[tilespmem:$0x10100] =	vst v63  }
0x83: {  	s29 =	simm.s32 $0x8900  }
0x84: {  	[tilespmem:s29], [sflag:$0x2] =	stream.indirect_vreg.gather [hbm4b:s3+s2], $0x80, v3, vm0, $0xb8;
	[tilespmem:$0x10100] =	vst v63  }
0x85: {  	v3 =	vld [tilespmem:$0x90];
	_ =	sdelay $0x4  }
0x86: {  	v57 =	vshll.u32 v3, $0x1  }
0x87: {  	v3 =	vand.u32 $0x7, v3;
	v4 =	vand.u32 $0xFFFFFFF0, v57  }
0x88: {  	v3 =	vor.u32 v3, v4  }
0x89: {  	v4 =	vperm.xlane v3, v0;
	_ =	sdelay $0x1  }
0x8a: {  	v3 =	vperm.xlane v3, v2;
	v4 =	vadd.s32 v1, v4;
	_ =	sdelay $0x1  }
0x8b: {  	v3 =	vadd.s32 v1, v3;
	_ =	sdelay $0x2  }
0x8c: {  	[tilespmem:s1], [sflag:$0x2] =	stream.indirect_vreg.gather [hbm4b:s3+s2], $0x80, v4, vm0, $0xb8;
	[tilespmem:$0x10100] =	vst v63  }
0x8d: {  	_ = 	snop  }
0x8e: {  	[tilespmem:s0], [sflag:$0x2] =	stream.indirect_vreg.gather [hbm4b:s3+s2], $0x80, v3, vm0, $0xb8;
	[tilespmem:$0x10100] =	vst v63  }
0x8f: {  	v3 =	vld [tilespmem:$0xA0];
	_ =	sdelay $0x4  }
0x90: {  	v58 =	vshll.u32 v3, $0x1  }
0x91: {  	v3 =	vand.u32 $0x7, v3;
	v4 =	vand.u32 $0xFFFFFFF0, v58  }
0x92: {  	v3 =	vor.u32 v3, v4  }
0x93: {  	v4 =	vperm.xlane v3, v0;
	_ =	sdelay $0x1  }
0x94: {  	v3 =	vperm.xlane v3, v2;
	v4 =	vadd.s32 v1, v4;
	_ =	sdelay $0x1  }
0x95: {  	v3 =	vadd.s32 v1, v3;
	_ =	sdelay $0x2  }
0x96: {  	[tilespmem:s6], [sflag:$0x2] =	stream.indirect_vreg.gather [hbm4b:s3+s2], $0x80, v4, vm0, $0xb8;
	[tilespmem:$0x10100] =	vst v63  }
0x97: {  	_ = 	snop  }
0x98: {  	[tilespmem:s8], [sflag:$0x2] =	stream.indirect_vreg.gather [hbm4b:s3+s2], $0x80, v3, vm0, $0xb8;
	[tilespmem:$0x10100] =	vst v63  }
0x99: {  	v3 =	vld [tilespmem:$0xB0];
	_ =	sdelay $0x4  }
0x9a: {  	v59 =	vshll.u32 v3, $0x1  }
0x9b: {  	v3 =	vand.u32 $0x7, v3;
	v4 =	vand.u32 $0xFFFFFFF0, v59  }
0x9c: {  	v3 =	vor.u32 v3, v4  }
0x9d: {  	v4 =	vperm.xlane v3, v0;
	_ =	sdelay $0x1  }
0x9e: {  	v3 =	vperm.xlane v3, v2;
	v4 =	vadd.s32 v1, v4;
	_ =	sdelay $0x1  }
0x9f: {  	v3 =	vadd.s32 v1, v3;
	_ =	sdelay $0x2  }
0xa0: {  	[tilespmem:s9], [sflag:$0x2] =	stream.indirect_vreg.gather [hbm4b:s3+s2], $0x80, v4, vm0, $0xb8;
	[tilespmem:$0x10100] =	vst v63  }
0xa1: {  	_ = 	snop  }
0xa2: {  	[tilespmem:s5], [sflag:$0x2] =	stream.indirect_vreg.gather [hbm4b:s3+s2], $0x80, v3, vm0, $0xb8;
	[tilespmem:$0x10100] =	vst v63  }
0xa3: {  	v3 =	vld [tilespmem:$0xC0];
	_ =	sdelay $0x4  }
0xa4: {  	v60 =	vshll.u32 v3, $0x1  }
0xa5: {  	v3 =	vand.u32 $0x7, v3;
	v4 =	vand.u32 $0xFFFFFFF0, v60  }
0xa6: {  	v3 =	vor.u32 v3, v4  }
0xa7: {  	v4 =	vperm.xlane v3, v0;
	_ =	sdelay $0x1  }
0xa8: {  	v3 =	vperm.xlane v3, v2;
	v4 =	vadd.s32 v1, v4;
	_ =	sdelay $0x1  }
0xa9: {  	v3 =	vadd.s32 v1, v3;
	_ =	sdelay $0x2  }
0xaa: {  	[tilespmem:s10], [sflag:$0x2] =	stream.indirect_vreg.gather [hbm4b:s3+s2], $0x80, v4, vm0, $0xb8;
	[tilespmem:$0x10100] =	vst v63  }
0xab: {  	_ = 	snop  }
0xac: {  	[tilespmem:s13], [sflag:$0x2] =	stream.indirect_vreg.gather [hbm4b:s3+s2], $0x80, v3, vm0, $0xb8;
	[tilespmem:$0x10100] =	vst v63  }
0xad: {  	v3 =	vld [tilespmem:$0xD0];
	_ =	sdelay $0x4  }
0xae: {  	v61 =	vshll.u32 v3, $0x1  }
0xaf: {  	v3 =	vand.u32 $0x7, v3;
	v4 =	vand.u32 $0xFFFFFFF0, v61  }
0xb0: {  	v3 =	vor.u32 v3, v4  }
0xb1: {  	v4 =	vperm.xlane v3, v0;
	_ =	sdelay $0x1  }
0xb2: {  	v3 =	vperm.xlane v3, v2;
	v4 =	vadd.s32 v1, v4;
	_ =	sdelay $0x1  }
0xb3: {  	v3 =	vadd.s32 v1, v3;
	_ =	sdelay $0x2  }
0xb4: {  	[tilespmem:s14], [sflag:$0x2] =	stream.indirect_vreg.gather [hbm4b:s3+s2], $0x80, v4, vm0, $0xb8;
	[tilespmem:$0x10100] =	vst v63  }
0xb5: {  	_ = 	snop  }
0xb6: {  	[tilespmem:s15], [sflag:$0x2] =	stream.indirect_vreg.gather [hbm4b:s3+s2], $0x80, v3, vm0, $0xb8;
	[tilespmem:$0x10100] =	vst v63  }
0xb7: {  	v3 =	vld [tilespmem:$0xE0];
	_ =	sdelay $0x4  }
0xb8: {  	v62 =	vshll.u32 v3, $0x1  }
0xb9: {  	v3 =	vand.u32 $0x7, v3;
	v4 =	vand.u32 $0xFFFFFFF0, v62  }
0xba: {  	v3 =	vor.u32 v3, v4  }
0xbb: {  	v4 =	vperm.xlane v3, v0;
	_ =	sdelay $0x1  }
0xbc: {  	v3 =	vperm.xlane v3, v2;
	v4 =	vadd.s32 v1, v4;
	_ =	sdelay $0x1  }
0xbd: {  	v3 =	vadd.s32 v1, v3;
	_ =	sdelay $0x2  }
0xbe: {  	[tilespmem:s16], [sflag:$0x2] =	stream.indirect_vreg.gather [hbm4b:s3+s2], $0x80, v4, vm0, $0xb8;
	[tilespmem:$0x10100] =	vst v63  }
0xbf: {  	_ = 	snop  }
0xc0: {  	[tilespmem:s17], [sflag:$0x2] =	stream.indirect_vreg.gather [hbm4b:s3+s2], $0x80, v3, vm0, $0xb8;
	[tilespmem:$0x10100] =	vst v63  }
0xc1: {  	v3 =	vld [tilespmem:$0xF0];
	_ =	sdelay $0x4  }
0xc2: {  	v63 =	vshll.u32 v3, $0x1  }
0xc3: {  	v3 =	vand.u32 $0x7, v3;
	v4 =	vand.u32 $0xFFFFFFF0, v63  }
0xc4: {  	v3 =	vor.u32 v3, v4  }
0xc5: {  	v4 =	vperm.xlane v3, v0;
	_ =	sdelay $0x1  }
0xc6: {  	v3 =	vperm.xlane v3, v2;
	v4 =	vadd.s32 v1, v4;
	_ =	sdelay $0x1  }
0xc7: {  	v3 =	vadd.s32 v1, v3  }
.Ltmp2:
0xc8: {  	_ = 	snop;
	(pc) =	sbr.rel .LBB2_2-.Ltmp2, $4  }
0xc9: {  	s31 =	rddreg [dreg:$0x6]  }
0xca: {  	[tilespmem:s18], [sflag:$0x2] =	stream.indirect_vreg.gather [hbm4b:s3+s2], $0x80, v4, vm0, $0xb8;
	[tilespmem:$0x10100] =	vst v63  }
0xcb: {  	s28 =	simm.s32 $0x0;
	s26 =	rddreg [dreg:$0x5]  }
0xcc: {  	[tilespmem:s19], [sflag:$0x2] =	stream.indirect_vreg.gather [hbm4b:s3+s2], $0x80, v3, vm0, $0xb8;
	[tilespmem:$0x10100] =	vst v63  }
.LBB2_9:
0xcd: {  	s28 =	sadd.s32 $0x1, s28  }
0xce: {  	p0 =	sne.s32 s28, $0x32  }
.Ltmp3:
0xcf: {  	_ = 	snop;
	(pc) =	sbr.rel @!p0 .LBB2_10-.Ltmp3, $2  }
0xd0: {  	_ =	sdelay $0x2  }
0xd1: {  	s26 =	sadd.s32 $0x10, s26;
	s31 =	sadd.s32 $0x1000, s31  }
.LBB2_2:
0xd2: {  	s29 =	sand.u32 $0x1, s28  }
0xd3: {  	p0 =	seq.s32 s29, $0x1  }
.Ltmp4:
0xd4: {  	_ = 	snop;
	(pc) =	sbr.rel @p0 .LBB2_7-.Ltmp4, $2  }
0xd5: {  	_ =	sdelay $0x2  }
0xd6: {  	s25 =	smov.u32 s31  }
0xd7: {  	_ =	swait.ge [sflag:s22], $0x8000  }
0xd8: {  	p0 =	sgt.u32 s28, $0x2F;
	[sflag:s22] =	ssyncset.done $0x0  }
.Ltmp5:
0xd9: {  	[sflag:s22] =	ssyncadd.s32 $0xFFFF8000;
	(pc) =	sbr.rel @p0 .LBB2_5-.Ltmp5, $4  }
0xda: {  	[hbm4b:s31+s2] =	stream.linear.scatter [tilespmem:s12], [sflag:$0x3], $0x8000, $0x38;
	[tilespmem:$0x10100] =	vst v63  }
0xdb: {  	_ =	swait.ge [sflag:s23], $0x8000  }
0xdc: {  	[sflag:s23] =	ssyncset.done $0x0  }
0xdd: {  	[sflag:s23] =	ssyncadd.s32 $0xFFFF8000  }
0xde: {  	[tilespmem:s2], [sflag:$0x5] =	stream.linear.gather [hbm4b:s26+s2], $0x80, $0x38;
	[tilespmem:$0x10100] =	vst v63  }
0xdf: {  	_ =	swait.ge [sflag:s11], $0x80  }
0xe0: {  	[sflag:s11] =	ssyncset.done $0x0  }
0xe1: {  	[sflag:s11] =	ssyncadd.s32 $0xFFFFFF80  }
0xe2: {  	v3 =	vld [tilespmem:$0x0];
	_ =	sdelay $0x4  }
0xe3: {  	v4 =	vshll.u32 v3, $0x1  }
0xe4: {  	v3 =	vand.u32 $0x7, v3;
	v4 =	vand.u32 $0xFFFFFFF0, v4  }
0xe5: {  	v3 =	vor.u32 v3, v4  }
0xe6: {  	v4 =	vperm.xlane v3, v0;
	_ =	sdelay $0x1  }
0xe7: {  	v3 =	vperm.xlane v3, v2;
	v4 =	vadd.s32 v1, v4;
	_ =	sdelay $0x1  }
0xe8: {  	v3 =	vadd.s32 v1, v3;
	_ =	sdelay $0x2  }
0xe9: {  	[tilespmem:s12], [sflag:$0x1] =	stream.indirect_vreg.gather [hbm4b:s3+s2], $0x80, v4, vm0, $0xb8;
	[tilespmem:$0x10100] =	vst v63  }
0xea: {  	s25 =	simm.s32 $0x900  }
0xeb: {  	[tilespmem:s25], [sflag:$0x1] =	stream.indirect_vreg.gather [hbm4b:s3+s2], $0x80, v3, vm0, $0xb8;
	[tilespmem:$0x10100] =	vst v63  }
0xec: {  	v3 =	vld [tilespmem:$0x10];
	_ =	sdelay $0x4  }
0xed: {  	v57 =	vshll.u32 v3, $0x1  }
0xee: {  	v3 =	vand.u32 $0x7, v3;
	v4 =	vand.u32 $0xFFFFFFF0, v57  }
0xef: {  	v3 =	vor.u32 v3, v4  }
0xf0: {  	v4 =	vperm.xlane v3, v0;
	_ =	sdelay $0x1  }
0xf1: {  	v3 =	vperm.xlane v3, v2;
	v4 =	vadd.s32 v1, v4;
	_ =	sdelay $0x1  }
0xf2: {  	v3 =	vadd.s32 v1, v3;
	_ =	sdelay $0x1  }
0xf3: {  	s25 =	simm.s32 $0x1100  }
0xf4: {  	[tilespmem:s25], [sflag:$0x1] =	stream.indirect_vreg.gather [hbm4b:s3+s2], $0x80, v4, vm0, $0xb8;
	[tilespmem:$0x10100] =	vst v63  }
0xf5: {  	s25 =	simm.s32 $0x1900  }
0xf6: {  	[tilespmem:s25], [sflag:$0x1] =	stream.indirect_vreg.gather [hbm4b:s3+s2], $0x80, v3, vm0, $0xb8;
	[tilespmem:$0x10100] =	vst v63  }
0xf7: {  	v3 =	vld [tilespmem:$0x20];
	_ =	sdelay $0x4  }
0xf8: {  	v58 =	vshll.u32 v3, $0x1  }
0xf9: {  	v3 =	vand.u32 $0x7, v3;
	v4 =	vand.u32 $0xFFFFFFF0, v58  }
0xfa: {  	v3 =	vor.u32 v3, v4  }
0xfb: {  	v4 =	vperm.xlane v3, v0;
	_ =	sdelay $0x1  }
0xfc: {  	v3 =	vperm.xlane v3, v2;
	v4 =	vadd.s32 v1, v4;
	_ =	sdelay $0x1  }
0xfd: {  	v3 =	vadd.s32 v1, v3;
	_ =	sdelay $0x1  }
0xfe: {  	s25 =	simm.s32 $0x2100  }
0xff: {  	[tilespmem:s25], [sflag:$0x1] =	stream.indirect_vreg.gather [hbm4b:s3+s2], $0x80, v4, vm0, $0xb8;
	[tilespmem:$0x10100] =	vst v63  }
0x100: {  	s25 =	simm.s32 $0x2900  }
0x101: {  	[tilespmem:s25], [sflag:$0x1] =	stream.indirect_vreg.gather [hbm4b:s3+s2], $0x80, v3, vm0, $0xb8;
	[tilespmem:$0x10100] =	vst v63  }
0x102: {  	v3 =	vld [tilespmem:$0x30];
	_ =	sdelay $0x4  }
0x103: {  	v59 =	vshll.u32 v3, $0x1  }
0x104: {  	v3 =	vand.u32 $0x7, v3;
	v4 =	vand.u32 $0xFFFFFFF0, v59  }
0x105: {  	v3 =	vor.u32 v3, v4  }
0x106: {  	v4 =	vperm.xlane v3, v0;
	_ =	sdelay $0x1  }
0x107: {  	v3 =	vperm.xlane v3, v2;
	v4 =	vadd.s32 v1, v4;
	_ =	sdelay $0x1  }
0x108: {  	v3 =	vadd.s32 v1, v3;
	_ =	sdelay $0x1  }
0x109: {  	s25 =	simm.s32 $0x3100  }
0x10a: {  	[tilespmem:s25], [sflag:$0x1] =	stream.indirect_vreg.gather [hbm4b:s3+s2], $0x80, v4, vm0, $0xb8;
	[tilespmem:$0x10100] =	vst v63  }
0x10b: {  	s25 =	simm.s32 $0x3900  }
0x10c: {  	[tilespmem:s25], [sflag:$0x1] =	stream.indirect_vreg.gather [hbm4b:s3+s2], $0x80, v3, vm0, $0xb8;
	[tilespmem:$0x10100] =	vst v63  }
0x10d: {  	v3 =	vld [tilespmem:$0x40];
	_ =	sdelay $0x4  }
0x10e: {  	v60 =	vshll.u32 v3, $0x1  }
0x10f: {  	v3 =	vand.u32 $0x7, v3;
	v4 =	vand.u32 $0xFFFFFFF0, v60  }
0x110: {  	v3 =	vor.u32 v3, v4  }
0x111: {  	v4 =	vperm.xlane v3, v0;
	_ =	sdelay $0x1  }
0x112: {  	v3 =	vperm.xlane v3, v2;
	v4 =	vadd.s32 v1, v4;
	_ =	sdelay $0x1  }
0x113: {  	v3 =	vadd.s32 v1, v3;
	_ =	sdelay $0x1  }
0x114: {  	s25 =	simm.s32 $0x4100  }
0x115: {  	[tilespmem:s25], [sflag:$0x1] =	stream.indirect_vreg.gather [hbm4b:s3+s2], $0x80, v4, vm0, $0xb8;
	[tilespmem:$0x10100] =	vst v63  }
0x116: {  	s25 =	simm.s32 $0x4900  }
0x117: {  	[tilespmem:s25], [sflag:$0x1] =	stream.indirect_vreg.gather [hbm4b:s3+s2], $0x80, v3, vm0, $0xb8;
	[tilespmem:$0x10100] =	vst v63  }
0x118: {  	v3 =	vld [tilespmem:$0x50];
	_ =	sdelay $0x4  }
0x119: {  	v61 =	vshll.u32 v3, $0x1  }
0x11a: {  	v3 =	vand.u32 $0x7, v3;
	v4 =	vand.u32 $0xFFFFFFF0, v61  }
0x11b: {  	v3 =	vor.u32 v3, v4  }
0x11c: {  	v4 =	vperm.xlane v3, v0;
	_ =	sdelay $0x1  }
0x11d: {  	v3 =	vperm.xlane v3, v2;
	v4 =	vadd.s32 v1, v4;
	_ =	sdelay $0x1  }
0x11e: {  	v3 =	vadd.s32 v1, v3;
	_ =	sdelay $0x1  }
0x11f: {  	s25 =	simm.s32 $0x5100  }
0x120: {  	[tilespmem:s25], [sflag:$0x1] =	stream.indirect_vreg.gather [hbm4b:s3+s2], $0x80, v4, vm0, $0xb8;
	[tilespmem:$0x10100] =	vst v63  }
0x121: {  	s25 =	simm.s32 $0x5900  }
0x122: {  	[tilespmem:s25], [sflag:$0x1] =	stream.indirect_vreg.gather [hbm4b:s3+s2], $0x80, v3, vm0, $0xb8;
	[tilespmem:$0x10100] =	vst v63  }
0x123: {  	v3 =	vld [tilespmem:$0x60];
	_ =	sdelay $0x4  }
0x124: {  	v62 =	vshll.u32 v3, $0x1  }
0x125: {  	v3 =	vand.u32 $0x7, v3;
	v4 =	vand.u32 $0xFFFFFFF0, v62  }
0x126: {  	v3 =	vor.u32 v3, v4  }
0x127: {  	v4 =	vperm.xlane v3, v0;
	_ =	sdelay $0x1  }
0x128: {  	v3 =	vperm.xlane v3, v2;
	v4 =	vadd.s32 v1, v4;
	_ =	sdelay $0x1  }
0x129: {  	v3 =	vadd.s32 v1, v3;
	_ =	sdelay $0x1  }
0x12a: {  	s25 =	simm.s32 $0x6100  }
0x12b: {  	[tilespmem:s25], [sflag:$0x1] =	stream.indirect_vreg.gather [hbm4b:s3+s2], $0x80, v4, vm0, $0xb8;
	[tilespmem:$0x10100] =	vst v63  }
0x12c: {  	s25 =	simm.s32 $0x6900  }
0x12d: {  	[tilespmem:s25], [sflag:$0x1] =	stream.indirect_vreg.gather [hbm4b:s3+s2], $0x80, v3, vm0, $0xb8;
	[tilespmem:$0x10100] =	vst v63  }
0x12e: {  	v3 =	vld [tilespmem:$0x70];
	_ =	sdelay $0x4  }
0x12f: {  	v63 =	vshll.u32 v3, $0x1  }
0x130: {  	v3 =	vand.u32 $0x7, v3;
	v4 =	vand.u32 $0xFFFFFFF0, v63  }
0x131: {  	v3 =	vor.u32 v3, v4  }
0x132: {  	v4 =	vperm.xlane v3, v0;
	_ =	sdelay $0x1  }
0x133: {  	v3 =	vperm.xlane v3, v2;
	v4 =	vadd.s32 v1, v4;
	_ =	sdelay $0x1  }
0x134: {  	v3 =	vadd.s32 v1, v3;
	_ =	sdelay $0x1  }
0x135: {  	s25 =	simm.s32 $0x7100  }
0x136: {  	[tilespmem:s25], [sflag:$0x1] =	stream.indirect_vreg.gather [hbm4b:s3+s2], $0x80, v4, vm0, $0xb8;
	[tilespmem:$0x10100] =	vst v63  }
0x137: {  	s25 =	simm.s32 $0x7900  }
0x138: {  	[tilespmem:s25], [sflag:$0x1] =	stream.indirect_vreg.gather [hbm4b:s3+s2], $0x80, v3, vm0, $0xb8;
	[tilespmem:$0x10100] =	vst v63  }
.LBB2_5:
0x139: {  	p0 =	seq.s32 s29, $0x0  }
.Ltmp6:
0x13a: {  	_ = 	snop;
	(pc) =	sbr.rel @p0 .LBB2_9-.Ltmp6, $1  }
0x13b: {  	_ =	sdelay $0x3  }
0x13c: {  	s25 =	sshll.u32 s28, $0xF  }
0x13d: {  	s25 =	sadd.s32 s7, s25  }
0x13e: {  	s25 =	sshrl.u32 s25, $0x3  }
0x13f: {  	s25 =	sadd.s32 s4, s25  }
.LBB2_7:
0x140: {  	_ =	swait.ge [sflag:s20], $0x8000  }
0x141: {  	p0 =	sgt.u32 s28, $0x2F;
	[sflag:s20] =	ssyncset.done $0x0  }
.Ltmp7:
0x142: {  	[sflag:s20] =	ssyncadd.s32 $0xFFFF8000;
	(pc) =	sbr.rel @p0 .LBB2_9-.Ltmp7, $4  }
0x143: {  	[hbm4b:s25+s2] =	stream.linear.scatter [tilespmem:s30], [sflag:$0x4], $0x8000, $0x38;
	[tilespmem:$0x10100] =	vst v63  }
0x144: {  	_ =	swait.ge [sflag:s21], $0x8000  }
0x145: {  	[sflag:s21] =	ssyncset.done $0x0  }
0x146: {  	[sflag:s21] =	ssyncadd.s32 $0xFFFF8000  }
0x147: {  	s25 =	simm.s32 $0x80  }
0x148: {  	[tilespmem:s25], [sflag:$0x5] =	stream.linear.gather [hbm4b:s26+s2], $0x80, $0x38;
	[tilespmem:$0x10100] =	vst v63  }
0x149: {  	_ =	swait.ge [sflag:s11], $0x80  }
0x14a: {  	[sflag:s11] =	ssyncset.done $0x0  }
0x14b: {  	[sflag:s11] =	ssyncadd.s32 $0xFFFFFF80  }
0x14c: {  	v3 =	vld [tilespmem:$0x80];
	_ =	sdelay $0x4  }
0x14d: {  	v4 =	vshll.u32 v3, $0x1  }
0x14e: {  	v3 =	vand.u32 $0x7, v3;
	v4 =	vand.u32 $0xFFFFFFF0, v4  }
0x14f: {  	v3 =	vor.u32 v3, v4  }
0x150: {  	v4 =	vperm.xlane v3, v0;
	_ =	sdelay $0x1  }
0x151: {  	v3 =	vperm.xlane v3, v2;
	v4 =	vadd.s32 v1, v4;
	_ =	sdelay $0x1  }
0x152: {  	v3 =	vadd.s32 v1, v3;
	_ =	sdelay $0x2  }
0x153: {  	[tilespmem:s30], [sflag:$0x2] =	stream.indirect_vreg.gather [hbm4b:s3+s2], $0x80, v4, vm0, $0xb8;
	[tilespmem:$0x10100] =	vst v63  }
0x154: {  	s29 =	simm.s32 $0x8900  }
0x155: {  	[tilespmem:s29], [sflag:$0x2] =	stream.indirect_vreg.gather [hbm4b:s3+s2], $0x80, v3, vm0, $0xb8;
	[tilespmem:$0x10100] =	vst v63  }
0x156: {  	v3 =	vld [tilespmem:$0x90];
	_ =	sdelay $0x4  }
0x157: {  	v57 =	vshll.u32 v3, $0x1  }
0x158: {  	v3 =	vand.u32 $0x7, v3;
	v4 =	vand.u32 $0xFFFFFFF0, v57  }
0x159: {  	v3 =	vor.u32 v3, v4  }
0x15a: {  	v4 =	vperm.xlane v3, v0;
	_ =	sdelay $0x1  }
0x15b: {  	v3 =	vperm.xlane v3, v2;
	v4 =	vadd.s32 v1, v4;
	_ =	sdelay $0x1  }
0x15c: {  	v3 =	vadd.s32 v1, v3;
	_ =	sdelay $0x2  }
0x15d: {  	[tilespmem:s1], [sflag:$0x2] =	stream.indirect_vreg.gather [hbm4b:s3+s2], $0x80, v4, vm0, $0xb8;
	[tilespmem:$0x10100] =	vst v63  }
0x15e: {  	_ = 	snop  }
0x15f: {  	[tilespmem:s0], [sflag:$0x2] =	stream.indirect_vreg.gather [hbm4b:s3+s2], $0x80, v3, vm0, $0xb8;
	[tilespmem:$0x10100] =	vst v63  }
0x160: {  	v3 =	vld [tilespmem:$0xA0];
	_ =	sdelay $0x4  }
0x161: {  	v58 =	vshll.u32 v3, $0x1  }
0x162: {  	v3 =	vand.u32 $0x7, v3;
	v4 =	vand.u32 $0xFFFFFFF0, v58  }
0x163: {  	v3 =	vor.u32 v3, v4  }
0x164: {  	v4 =	vperm.xlane v3, v0;
	_ =	sdelay $0x1  }
0x165: {  	v3 =	vperm.xlane v3, v2;
	v4 =	vadd.s32 v1, v4;
	_ =	sdelay $0x1  }
0x166: {  	v3 =	vadd.s32 v1, v3;
	_ =	sdelay $0x2  }
0x167: {  	[tilespmem:s6], [sflag:$0x2] =	stream.indirect_vreg.gather [hbm4b:s3+s2], $0x80, v4, vm0, $0xb8;
	[tilespmem:$0x10100] =	vst v63  }
0x168: {  	_ = 	snop  }
0x169: {  	[tilespmem:s8], [sflag:$0x2] =	stream.indirect_vreg.gather [hbm4b:s3+s2], $0x80, v3, vm0, $0xb8;
	[tilespmem:$0x10100] =	vst v63  }
0x16a: {  	v3 =	vld [tilespmem:$0xB0];
	_ =	sdelay $0x4  }
0x16b: {  	v59 =	vshll.u32 v3, $0x1  }
0x16c: {  	v3 =	vand.u32 $0x7, v3;
	v4 =	vand.u32 $0xFFFFFFF0, v59  }
0x16d: {  	v3 =	vor.u32 v3, v4  }
0x16e: {  	v4 =	vperm.xlane v3, v0;
	_ =	sdelay $0x1  }
0x16f: {  	v3 =	vperm.xlane v3, v2;
	v4 =	vadd.s32 v1, v4;
	_ =	sdelay $0x1  }
0x170: {  	v3 =	vadd.s32 v1, v3;
	_ =	sdelay $0x2  }
0x171: {  	[tilespmem:s9], [sflag:$0x2] =	stream.indirect_vreg.gather [hbm4b:s3+s2], $0x80, v4, vm0, $0xb8;
	[tilespmem:$0x10100] =	vst v63  }
0x172: {  	_ = 	snop  }
0x173: {  	[tilespmem:s5], [sflag:$0x2] =	stream.indirect_vreg.gather [hbm4b:s3+s2], $0x80, v3, vm0, $0xb8;
	[tilespmem:$0x10100] =	vst v63  }
0x174: {  	v3 =	vld [tilespmem:$0xC0];
	_ =	sdelay $0x4  }
0x175: {  	v60 =	vshll.u32 v3, $0x1  }
0x176: {  	v3 =	vand.u32 $0x7, v3;
	v4 =	vand.u32 $0xFFFFFFF0, v60  }
0x177: {  	v3 =	vor.u32 v3, v4  }
0x178: {  	v4 =	vperm.xlane v3, v0;
	_ =	sdelay $0x1  }
0x179: {  	v3 =	vperm.xlane v3, v2;
	v4 =	vadd.s32 v1, v4;
	_ =	sdelay $0x1  }
0x17a: {  	v3 =	vadd.s32 v1, v3;
	_ =	sdelay $0x2  }
0x17b: {  	[tilespmem:s10], [sflag:$0x2] =	stream.indirect_vreg.gather [hbm4b:s3+s2], $0x80, v4, vm0, $0xb8;
	[tilespmem:$0x10100] =	vst v63  }
0x17c: {  	_ = 	snop  }
0x17d: {  	[tilespmem:s13], [sflag:$0x2] =	stream.indirect_vreg.gather [hbm4b:s3+s2], $0x80, v3, vm0, $0xb8;
	[tilespmem:$0x10100] =	vst v63  }
0x17e: {  	v3 =	vld [tilespmem:$0xD0];
	_ =	sdelay $0x4  }
0x17f: {  	v61 =	vshll.u32 v3, $0x1  }
0x180: {  	v3 =	vand.u32 $0x7, v3;
	v4 =	vand.u32 $0xFFFFFFF0, v61  }
0x181: {  	v3 =	vor.u32 v3, v4  }
0x182: {  	v4 =	vperm.xlane v3, v0;
	_ =	sdelay $0x1  }
0x183: {  	v3 =	vperm.xlane v3, v2;
	v4 =	vadd.s32 v1, v4;
	_ =	sdelay $0x1  }
0x184: {  	v3 =	vadd.s32 v1, v3;
	_ =	sdelay $0x2  }
0x185: {  	[tilespmem:s14], [sflag:$0x2] =	stream.indirect_vreg.gather [hbm4b:s3+s2], $0x80, v4, vm0, $0xb8;
	[tilespmem:$0x10100] =	vst v63  }
0x186: {  	_ = 	snop  }
0x187: {  	[tilespmem:s15], [sflag:$0x2] =	stream.indirect_vreg.gather [hbm4b:s3+s2], $0x80, v3, vm0, $0xb8;
	[tilespmem:$0x10100] =	vst v63  }
0x188: {  	v3 =	vld [tilespmem:$0xE0];
	_ =	sdelay $0x4  }
0x189: {  	v62 =	vshll.u32 v3, $0x1  }
0x18a: {  	v3 =	vand.u32 $0x7, v3;
	v4 =	vand.u32 $0xFFFFFFF0, v62  }
0x18b: {  	v3 =	vor.u32 v3, v4  }
0x18c: {  	v4 =	vperm.xlane v3, v0;
	_ =	sdelay $0x1  }
0x18d: {  	v3 =	vperm.xlane v3, v2;
	v4 =	vadd.s32 v1, v4;
	_ =	sdelay $0x1  }
0x18e: {  	v3 =	vadd.s32 v1, v3;
	_ =	sdelay $0x2  }
0x18f: {  	[tilespmem:s16], [sflag:$0x2] =	stream.indirect_vreg.gather [hbm4b:s3+s2], $0x80, v4, vm0, $0xb8;
	[tilespmem:$0x10100] =	vst v63  }
0x190: {  	_ = 	snop  }
0x191: {  	[tilespmem:s17], [sflag:$0x2] =	stream.indirect_vreg.gather [hbm4b:s3+s2], $0x80, v3, vm0, $0xb8;
	[tilespmem:$0x10100] =	vst v63  }
0x192: {  	v3 =	vld [tilespmem:$0xF0];
	_ =	sdelay $0x4  }
0x193: {  	v63 =	vshll.u32 v3, $0x1  }
0x194: {  	v3 =	vand.u32 $0x7, v3;
	v4 =	vand.u32 $0xFFFFFFF0, v63  }
0x195: {  	v3 =	vor.u32 v3, v4  }
0x196: {  	v4 =	vperm.xlane v3, v0;
	_ =	sdelay $0x1  }
0x197: {  	v3 =	vperm.xlane v3, v2;
	v4 =	vadd.s32 v1, v4;
	_ =	sdelay $0x1  }
0x198: {  	v3 =	vadd.s32 v1, v3  }
.Ltmp8:
0x199: {  	_ = 	snop;
	(pc) =	sbr.rel .LBB2_9-.Ltmp8, $4  }
0x19a: {  	_ = 	snop  }
0x19b: {  	[tilespmem:s18], [sflag:$0x2] =	stream.indirect_vreg.gather [hbm4b:s3+s2], $0x80, v4, vm0, $0xb8;
	[tilespmem:$0x10100] =	vst v63  }
0x19c: {  	_ = 	snop  }
0x19d: {  	[tilespmem:s19], [sflag:$0x2] =	stream.indirect_vreg.gather [hbm4b:s3+s2], $0x80, v3, vm0, $0xb8;
	[tilespmem:$0x10100] =	vst v63  }
.LBB2_11:
0x19e: {  	_ =	sfence.sel $0x180000  }
0x19f: {  	[bflag:$0x0] =	sbarrier.arrive $0xFFFF  }
0x1a0: {  	_ =	strace $0x90000047  }
0x1a1: {  	s0 =	stileid.u32;
	[bflag:$0x2] =	sbarrier.arrive $0xFFFF  }
0x1a2: {  	p0 =	sne.s32 s0, $0x0;
	s0 =	rddreg [dreg:$0x1]  }
0x1a3: {  	s0 =	sadd.s32 @!p0 $0x100000, s0  }
0x1a4: {  	[sflag:s0] =	ssyncadd.tile.s32 @!p0 $0x1;
	_ =	shalt  }
.Lfunc_end2:
_tile_overlayer_lowered:
.L_overlay_start_2:
0x1a5: {  	(tag) =	ssettag $0x2  }
0x1a6: {  	s0 =	rddreg [dreg:$0x0];
	s2 =	stileid.u32  }
0x1a7: {  	s1 =	rddreg [dreg:$0x1];
	p0 =	sne.s32 s2, $0x0  }
0x1a8: {  	s3 =	rddreg [dreg:$0x2];
	[bflag:$0x3] =	sbarrier.arrive $0xFFFF;
	s2 =	simm.s32 @!p0 $0x1C05  }
0x1a9: {  	[timem:s3], [sflag:s2] =	dma.local @!p0 [hbm:s0], s1  }
0x1aa: {  	s0 =	simm.s32 @!p0 $0x5  }
0x1ab: {  	_ =	swait.ge @!p0 [sflag:s0], s1  }
0x1ac: {  	s1 =	ssub.s32 @!p0 $0x0, s1;
	[sflag:s0] =	ssyncset.done @!p0 $0x0  }
0x1ad: {  	[sflag:s0] =	ssyncadd.s32 @!p0 s1  }
0x1ae: {  	[bflag:$0x3] =	sbarrier.arrive $0xFFFF  }
0x1af: {  	_ =	shalt  }

// kernel: sparse-core-data-format-call.cloned.1.call-start
scs
called_computation_lowered:
.L_overlay_start_0:
0x0: {  	s2 =	sld [smem:$0x3FD9]  }
0x1: {  	s3 =	sld [smem:$0x3FFE];
	_ =	sdelay $0x1  }
0x2: {  	s1 =	srdreg.scid  }
0x3: {  	s0 =	sand.u32 $0x1, s1  }
0x4: {  	s18 =	sshll.u32 s0, $0xA;
	s2 =	sadd.s32 s3, s2  }
0x5: {  	s2 =	sadd.s32 s2, s18  }
0x6: {  	[smem:$0x3FC6] =	sst s2  }
0x7: {  	_ = 	snop  }
0x8: {  	s2 =	sld [smem:$0x3FD0];
	(tm) =	ssettm $0x1  }
0x9: {  	s19 =	sld [smem:$0x3FFB];
	_ =	sdelay $0x3  }
0xa: {  	_ =	strace s19  }
0xb: {  	s3 =	sld [smem:$0x3FFC];
	_ =	sdelay $0x3  }
0xc: {  	_ =	strace s3  }
0xd: {  	s3 =	sld [smem:$0x3FFD];
	_ =	sdelay $0x3  }
0xe: {  	_ =	strace s3  }
0xf: {  	_ =	strace $0x8FFFFFFF  }
0x10: {  	s20 =	sld [smem:$0x3FDB];
	_ =	sdelay $0x1  }
0x11: {  	s4 =	simm.s32 $_scs_section_size  }
0x12: {  	s5 =	simm.s32 $_size__tile_overlayer_lowered;
	s6 =	simm.s32 $_tile_overlayer_lowered  }
0x13: {  	s23 =	simm.s32 $0x1BFF;
	s22 =	sshll.u32 s6, $0x1;
	s3 =	sadd.s32 s4, s20  }
0x14: {  	s7 =	simm.s32 $0x0;
	s21 =	sshll.u32 s5, $0x1;
	s5 =	sadd.s32 s22, s3  }
0x15: {  	[timem:s7], [sflag:s23] =	dma.local [hbm:s5], s21  }
0x16: {  	_ =	swait.ge [sflag:s23], s21  }
0x17: {  	s4 =	ssub.s32 $0x0, s21;
	[sflag:s23] =	ssyncset.done $0x0  }
0x18: {  	[sflag:s23] =	ssyncadd.s32 s4;
	_ =	sdelay $0x1  }
0x19: {  	s24 =	simm.s32 $0x1B8B  }
0x1a: {  	_ =	swait.ge [sflag:s24], $0x1  }
0x1b: {  	[sflag:s24] =	ssyncset.done $0x0  }
0x1c: {  	s26 =	simm.s32 $0x1B8E;
	s25 =	sld [smem:$0x3FFE];
	[sflag:s24] =	ssyncadd.s32 $0xFFFFFFFF  }
0x1d: {  	s27 =	simm.s32 $execute0_lowered;
	[smem:$0x3FD2] =	sst s26  }
0x1e: {  	s5 =	sshll.u32 s27, $0x1;
	_ =	strace $0x80000049;
	[dreg:$0x1] =	wrdreg $0xFFFFFFFF  }
0x1f: {  	s28 =	simm.s32 $_size_execute0_lowered;
	s3 =	sadd.s32 s3, s5;
	[dreg:$0x0] =	wrdreg $0x0  }
0x20: {  	s5 =	sshll.u32 s28, $0x1;
	[dreg:$0x2] =	wrdreg s3  }
0x21: {  	[dreg:$0x3] =	wrdreg s5  }
0x22: {  	[dreg:$0x4] =	wrdreg $0xC0  }
0x23: {  	_ =	task [dreg:s7], $0x5FFFF  }
0x24: {  	[dreg:$0x1] =	wrdreg $0xFFFFFFFF  }
0x25: {  	[dreg:$0x0] =	wrdreg $0x60  }
0x26: {  	[dreg:$0x2] =	wrdreg s25  }
0x27: {  	[dreg:$0x3] =	wrdreg s2  }
0x28: {  	[dreg:$0x4] =	wrdreg $0x9  }
0x29: {  	_ =	task.clear_ibuf [dreg:s7], $0x5FFFF;
	_ =	strace $0x90000049  }
0x2a: {  	s29 =	simm.s32 $0x9;
	_ =	strace $0x8000004B  }
0x2b: {  	_ =	swait.ge [sflag:s29], $0x1  }
0x2c: {  	[sflag:s29] =	ssyncadd.s32 $0xFFFFFFFF  }
0x2d: {  	_ =	strace $0x9000004B  }
0x2e: {  	_ =	sfence  }
0x2f: {  	s30 =	sld [smem:$0x0];
	_ =	sdelay $0x2  }
0x30: {  	s31 =	sshll.u32 s1, $0xD;
	s1 =	sshrl.u32 s1, $0x2  }
0x31: {  	s3 =	sand.u32 $0x4000, s31;
	s1 =	sadd.s32 s1, s30  }
0x32: {  	s0 =	sor.u32 s3, s0;
	s1 =	sshll.u32 s1, $0x11  }
0x33: {  	s0 =	sor.u32 s1, s0  }
0x34: {  	s0 =	sadd.s32 $0x8F2B, s0  }
0x35: {  	[sflag:s0] =	ssyncadd.remote.s32 $0x1  }
0x36: {  	_ =	sfence.sel $0xFFFF  }
0x37: {  	[dreg:$0x0] =	wrdreg $0xFFFFFFFF;
	(pc) =	sbr.abs _section_cstart, $3  }
0x38: {  	[dreg:$0x1] =	wrdreg $0xFFFFFFFF  }
0x39: {  	_ =	task.clear_ibuf [dreg:s7], $0x2FFFF;
	_ =	strace $0x9FFFFFFF  }
0x3a: {  	(tm) =	ssettm $0x7FFFFFFF  }
0x3b: {  	_ =	shalt  }
tec
execute0_lowered:
.L_overlay_start_1:
0x0: {  	(tag) =	ssettag $0x1  }
0x1: {  	s0 =	srdreg.scid;
	s6 =	rddreg [dreg:$0x0]  }
0x2: {  	s3 =	rddreg [dreg:$0x1];
	s1 =	sshll.u32 s0, $0x4  }
0x3: {  	s5 =	simm.s32 $0x1;
	s0 =	stileid.u32;
	s1 =	sand.u32 $0x10, s1  }
0x4: {  	s31 =	simm.s32 $0x2;
	s16 =	simm.s32 $0x0;
	s1 =	sor.u32 s0, s1  }
0x5: {  	s8 =	simm.s32 $0x8000;
	s18 =	simm.s32 $0x0;
	s2 =	sshll.u32 s1, $0x7  }
0x6: {  	s17 =	simm.s32 $0x0;
	s9 =	simm.s32 $0x0;
	s4 =	ssub.s32 $0x1000, s2  }
0x7: {  	s10 =	simm.s32 $0x0;
	s11 =	simm.s32 $0x0;
	s30 =	sand.u32 $0xF80, s4  }
0x8: {  	s12 =	simm.s32 $0x0;
	s13 =	simm.s32 $0x0;
	p0 =	sne.s32 s30, $0x0  }
.Ltmp0:
0x9: {  	s7 =	sshrl.u32 s4, $0xC;
	s5 =	simm.s32 @!p0 $0x0;
	(pc) =	sbr.rel .LBB1_1-.Ltmp0, $4  }
0xa: {  	s15 =	simm.s32 $0x0;
	s1 =	rddreg [dreg:$0x2];
	s5 =	sadd.s32 s5, s7  }
0xb: {  	_ =	strace $0x8000004A;
	s4 =	simm.s32 $0x1;
	s5 =	smul.u32 $0x64, s5  }
0xc: {  	s6 =	sadd.s32 $0x954000, s6;
	s14 =	smov.u32 s2;
	[sflag:s4] =	ssyncpa.u1 $0x0  }
0xd: {  	[sflag:s31] =	ssyncpa.u1 $0x0;
	p0 =	por $0x0, $0x0;
	s7 =	sor.u32 $0x1, s5  }
.LBB1_4:
0xe: {  	s23 =	sshra.s32 s23, $0x2;
	s30 =	sshll.u32 s9, $0xC  }
0xf: {  	p1 =	sgt.s32 s10, $0x31;
	s24 =	smov.u32 s10;
	s25 =	sshra.s32 s10, $0x1F  }
0x10: {  	s26 =	sshll.u32 s11, $0x3;
	s28 =	smov.u32 s11;
	s29 =	sshra.s32 s11, $0x1F  }
0x11: {  	s22 =	sadd.s32 s23, s22;
	s24 =	simm.s32 @!p1 $0x31;
	s25 =	sand.u32 s25, s10  }
0x12: {  	s23 =	sand.u32 $0xFFFF8000, s30;
	s27 =	sand.u32 $0xFFFFFC00, s26;
	p1 =	sgt.s32 s9, $0x28  }
0x13: {  	s31 =	sand.u32 s29, s11;
	s29 =	sshll.u32 s9, $0x7;
	s30 =	sshra.s32 s9, $0x1F  }
0x14: {  	[tilespmem:s21+$0x2040 ss:$0x81] =	vst.msk $0xffff, v4;
	s24 =	ssub.s32 s24, s25;
	s23 =	sadd.s32 s27, s23;
	s27 =	smov.u32 s9  }
0x15: {  	[tilespmem:s21+$0x2850 ss:$0x81] =	vst.msk $0xffff, v3;
	s29 =	sand.u32 $0x380, s29;
	s25 =	sadd.s32 $0xFFFFFFCF, s24;
	s27 =	simm.s32 @!p1 $0x28  }
0x16: {  	v5 =	vld [tilespmem:s20+$0xFFFFFFD0];
	[tilespmem:s21+$0x3060 ss:$0x81] =	vst.msk $0xffff, v2;
	p1 =	sgt.s32 s11, $0xF80;
	s23 =	sshrl.u32 s23, $0xC;
	s24 =	ssub.s32 $0x32, s24  }
0x17: {  	v58 =	vld [tilespmem:s20+$0xFFFFFFE0];
	[tilespmem:s21+$0x0 ss:$0x81] =	vst.msk $0xffff, v1;
	s28 =	simm.s32 @!p1 $0xF80;
	p1 =	sgt.s32 s25, $0x0;
	s21 =	smulhi.u32 $0x1861862, s23  }
0x18: {  	v59 =	vld [tilespmem:s20+$0xFFFFFFF0];
	s25 =	ssub.s32 s28, s31;
	s28 =	sand.u32 s30, s9;
	s24 =	simm.s32 @p1 $0x0  }
0x19: {  	v60 =	vld [tilespmem:s20+$0x0];
	s27 =	ssub.s32 s27, s28;
	s31 =	sadd.s32 $0xFFFFF080, s25;
	s25 =	ssub.s32 $0x1000, s25  }
0x1a: {  	v61 =	vld [tilespmem:s20+$0x10];
	[tilespmem:s22+$0x3870 ss:$0x81] =	vst.msk $0xffff, v0;
	s21 =	smul.u32 $0xA8, s21;
	s28 =	sand.u32 $0x7, s11;
	p1 =	sgt.s32 s31, $0x7F  }
0x1b: {  	v62 =	vld [tilespmem:s20+$0x20];
	[tilespmem:s22+$0x810 ss:$0x81] =	vst.msk $0xffff, v5;
	s30 =	sadd.s32 $0xFFFFFFD8, s27;
	s31 =	sand.u32 $0x78, s11;
	s25 =	simm.s32 @p1 $0x0  }
0x1c: {  	v63 =	vld [tilespmem:s20+$0xFFFFFFC0];
	[tilespmem:s22+$0x1020 ss:$0x81] =	vst.msk $0xffff, v58;
	p1 =	sgt.s32 s30, $0x7F;
	s30 =	sand.u32 $0xC00, s26;
	s24 =	smul.u32 s25, s24  }
0x1d: {  	[tilespmem:s22+$0x1830 ss:$0x81] =	vst.msk $0xffff, v59;
	s26 =	ssub.s32 $0xA8, s27;
	s20 =	sor.u32 s31, s30;
	s31 =	smul.u32 $0x15000, s10  }
0x1e: {  	[tilespmem:s22+$0x2040 ss:$0x81] =	vst.msk $0xffff, v60;
	s21 =	ssub.s32 s23, s21;
	s26 =	simm.s32 @p1 $0x0;
	s20 =	sor.u32 s29, s20  }
0x1f: {  	[tilespmem:s22+$0x2850 ss:$0x81] =	vst.msk $0xffff, v61;
	s26 =	smul.u32 s26, s24;
	s20 =	sshrl.u32 s20, $0x3;
	s27 =	sadd.s32 s3, s31  }
0x20: {  	[tilespmem:s22+$0x3060 ss:$0x81] =	vst.msk $0xffff, v62;
	s21 =	sshll.u32 s21, $0x9;
	s29 =	sshll.u32 s28, $0x12;
	s20 =	sadd.s32 s20, s27  }
0x21: {  	[tilespmem:s22+$0x0 ss:$0x81] =	vst.msk $0xffff, v63;
	s31 =	sor.u32 $0x400, s29;
	s30 =	sand.u32 $0x3FFFFFFF, s26;
	s20 =	sadd.s32 s21, s20  }
0x22: {  	[hbm4b:s20+s31] =	stream.strided.scatter [tilespmem:s19], [sflag:$0x2], s30, s8, s31, $0x20;
	[tilespmem:$0x10100] =	vst v63  }
.LBB1_5:
0x23: {  	p1 =	slt.u32 s15, $0x2  }
0x24: {  	p2 =	sgt.s32 @!p1 s18, $0x31  }
0x25: {  	s19 =	smov.u32 s18;
	s20 =	sshra.s32 @!p1 s18, $0x1F;
	p2 =	por !p2, p1  }
0x26: {  	s18 =	sand.u32 @!p1 s20, s18;
	s19 =	simm.s32 @p2 $0x31  }
0x27: {  	p3 =	sgt.s32 @!p1 s16, $0x28;
	s18 =	ssub.s32 @!p1 s19, s18  }
0x28: {  	p4 =	sgt.s32 @!p1 s17, $0xF80;
	s21 =	sshra.s32 @!p1 s17, $0x1F;
	s19 =	sadd.s32 @!p1 $0xFFFFFFCF, s18  }
0x29: {  	s20 =	smov.u32 s16;
	p2 =	sgt.s32 @!p1 s19, $0x0;
	s19 =	sshra.s32 @!p1 s16, $0x1F  }
0x2a: {  	p4 =	por !p4, p1;
	s16 =	sand.u32 @!p1 s19, s16;
	s19 =	smov.u32 s17  }
0x2b: {  	p3 =	por !p3, p1;
	s17 =	sand.u32 @!p1 s21, s17;
	s19 =	simm.s32 @p4 $0xF80  }
0x2c: {  	s20 =	simm.s32 @p3 $0x28;
	s18 =	ssub.s32 @!p1 $0x32, s18;
	s17 =	ssub.s32 @!p1 s19, s17  }
0x2d: {  	p2 =	por !p2, p1;
	s16 =	ssub.s32 @!p1 s20, s16;
	s20 =	sadd.s32 @!p1 $0xFFFFF080, s17  }
0x2e: {  	s18 =	simm.s32 @!p2 $0x0;
	p3 =	sgt.s32 @!p1 s20, $0x7F  }
0x2f: {  	s19 =	sadd.s32 @!p1 $0xFFFFFFD8, s16;
	s17 =	ssub.s32 @!p1 $0x1000, s17;
	p3 =	por !p3, p1  }
0x30: {  	p2 =	sgt.s32 @!p1 s19, $0x7F;
	s19 =	sadd.s32 $0x80, s12;
	s17 =	simm.s32 @!p3 $0x0  }
0x31: {  	p3 =	sgt.s32 s19, $0xA1;
	s17 =	smul.u32 @!p1 s17, s18;
	s18 =	simm.s32 $0x1  }
0x32: {  	s16 =	ssub.s32 @!p1 $0xA8, s16;
	p2 =	por !p2, p1;
	s18 =	simm.s32 @!p3 $0x0  }
0x33: {  	s21 =	smov.u32 s14;
	s16 =	simm.s32 @!p2 $0x0;
	s20 =	sadd.s32 s18, s13  }
0x34: {  	s16 =	smul.u32 @!p1 s16, s17;
	s17 =	sadd.s32 $0x1000, s14;
	p2 =	sgt.s32 s20, $0x31  }
0x35: {  	p0 =	por !p0, !p0;
	s22 =	simm.s32 @!p1 $0x2;
	s21 =	smov.u32 @p2 s17  }
0x36: {  	s19 =	simm.s32 @p3 $0x0;
	s20 =	simm.s32 @p2 $0x0;
	p2 =	sgt.s32 s21, $0xFFF  }
0x37: {  	s18 =	smov.u32 s10;
	s21 =	smov.u32 @p2 s2;
	p2 =	sne.s32 s15, s7  }
.Ltmp1:
0x38: {  	s10 =	smov.u32 s13;
	s16 =	sand.u32 @!p1 $0x3FFFFFFF, s16;
	(pc) =	sbr.rel @!p2 .LBB1_6-.Ltmp1, $4  }
0x39: {  	s17 =	smov.u32 s11;
	s11 =	smov.u32 s14;
	_ =	swait.ge @!p1 [sflag:s22], s16  }
0x3a: {  	s23 =	ssub.s32 @!p1 $0x0, s16;
	s16 =	smov.u32 s9;
	s9 =	smov.u32 s12  }
0x3b: {  	s12 =	smov.u32 s19;
	s13 =	smov.u32 s20;
	[sflag:s22] =	ssyncset.done @!p1 $0x0  }
0x3c: {  	s15 =	sadd.s32 $0x1, s15;
	[sflag:s22] =	ssyncadd.s32 @!p1 s23;
	s14 =	smov.u32 s21  }
.LBB1_1:
0x3d: {  	p1 =	sge.u32 s15, s5  }
0x3e: {  	s19 =	sshll.u32 @!p1 s13, $0x8;
	s20 =	sshll.u32 @!p1 s12, $0x3  }
0x3f: {  	s21 =	sshll.u32 @!p1 s13, $0x7;
	s19 =	sand.u32 @!p1 $0xFFFFF800, s19;
	s20 =	sand.u32 @!p1 $0xFFFFFC00, s20  }
0x40: {  	s19 =	sadd.s32 @!p1 s19, s20;
	s20 =	sand.u32 @!p1 $0x300, s21  }
0x41: {  	s19 =	sor.u32 @!p1 s20, s19  }
0x42: {  	s19 =	sshrl.u32 @!p1 s19, $0x8  }
0x43: {  	s31 =	sadd.s32 $0xFFFFFFFF, s15;
	s20 =	smulhi.u32 @!p1 $0x4924925, s19  }
0x44: {  	s22 =	sxor.u32 @!p1 $0xFFFFFFFF, s15;
	s23 =	sand.u32 @!p1 $0x78, s12;
	s24 =	smul.u32 @!p1 $0x700, s14  }
0x45: {  	s22 =	sshll.u32 @!p1 s22, $0xE;
	s21 =	sand.u32 @!p1 $0x80, s21;
	s20 =	smul.u32 @!p1 $0x38, s20  }
0x46: {  	s22 =	sand.u32 @!p1 $0x4000, s22;
	s21 =	sor.u32 @!p1 s23, s21;
	s23 =	sand.u32 @!p1 $0x7, s12  }
0x47: {  	s19 =	ssub.s32 @!p1 s19, s20;
	s20 =	sshrl.u32 @!p1 s21, $0x3;
	s21 =	sadd.s32 @!p1 s6, s24  }
0x48: {  	s19 =	sshll.u32 @!p1 s19, $0x5;
	s20 =	sadd.s32 @!p1 s20, s21;
	s21 =	sshll.u32 @!p1 s23, $0x12  }
0x49: {  	s19 =	sadd.s32 @!p1 s19, s20;
	s20 =	sor.u32 @!p1 $0x80, s21;
	s21 =	simm.s32 @!p1 $0x3800  }
0x4a: {  	[tilespmem:s22], [sflag:$0x1] =	stream.strided.gather @!p1 [hbm4b:s19+s20], $0x4000, s21, s20, $0x38;
	[tilespmem:$0x10100] =	vst v63  }
0x4b: {  	p1 =	sge.u32 s31, s5  }
.Ltmp2:
0x4c: {  	_ = 	snop;
	(pc) =	sbr.rel @p1 .LBB1_5-.Ltmp2, $1  }
0x4d: {  	_ =	sdelay $0x3  }
0x4e: {  	s19 =	simm.s32 $0x1  }
0x4f: {  	_ =	swait.ge [sflag:s4], $0x4000;
	s19 =	simm.s32 @!p0 $0x0  }
0x50: {  	[sflag:s4] =	ssyncset.done $0x0;
	s20 =	sshll.u32 s19, $0xE  }
0x51: {  	[sflag:s4] =	ssyncadd.s32 $0xFFFFC000;
	s20 =	sor.u32 $0x40, s20  }
0x52: {  	s19 =	smul.u32 $0x10200, s19;
	v0 =	vld [tilespmem:s20+$0x30]  }
0x53: {  	v1 =	vld [tilespmem:s20+$0xFFFFFFD0]  }
0x54: {  	s19 =	sshrl.u32 s19, $0x2;
	v5 =	vld [tilespmem:s20+$0xFFFFFFE0]  }
0x55: {  	v6 =	vld [tilespmem:s20+$0xFFFFFFF0];
	s22 =	sor.u32 $0x8000, s19  }
0x56: {  	s31 =	sand.u32 $0x1, s15;
	v4 =	vld [tilespmem:s20+$0x0];
	s21 =	sadd.s32 $0x0, s22  }
0x57: {  	v3 =	vld [tilespmem:s20+$0x10];
	s19 =	smul.u32 $0x10200, s31;
	[tilespmem:s21+$0x3870 ss:$0x81] =	vst.msk $0xffff, v0  }
0x58: {  	v2 =	vld [tilespmem:s20+$0x20];
	[tilespmem:s21+$0x810 ss:$0x81] =	vst.msk $0xffff, v1  }
0x59: {  	s19 =	sshrl.u32 s19, $0x2;
	v1 =	vld [tilespmem:s20+$0xFFFFFFC0];
	[tilespmem:s21+$0x1020 ss:$0x81] =	vst.msk $0xffff, v5;
	s20 =	sadd.s32 $0x80, s20  }
0x5a: {  	s23 =	simm.s32 $0x4;
	s24 =	simm.s32 $0x8;
	s19 =	sor.u32 $0x8000, s19;
	[tilespmem:s21+$0x1830 ss:$0x81] =	vst.msk $0xffff, v6;
	v0 =	vld [tilespmem:s20+$0x30]  }
.LBB1_3:
0x5b: {  	p1 =	sne.s32 s24, $0x1FC;
	v5 =	vld [tilespmem:s20+$0xFFFFFFD0];
	[tilespmem:s21+$0x2040 ss:$0x81] =	vst.msk $0xffff, v4  }
0x5c: {  	v6 =	vld [tilespmem:s20+$0xFFFFFFE0];
	[tilespmem:s21+$0x2850 ss:$0x81] =	vst.msk $0xffff, v3  }
0x5d: {  	s25 =	sshra.s32 s23, $0x2;
	s23 =	smov.u32 s24;
	v7 =	vld [tilespmem:s20+$0xFFFFFFF0];
	[tilespmem:s21+$0x3060 ss:$0x81] =	vst.msk $0xffff, v2  }
.Ltmp3:
0x5e: {  	v4 =	vld [tilespmem:s20+$0x0];
	[tilespmem:s21+$0x0 ss:$0x81] =	vst.msk $0xffff, v1;
	s21 =	sadd.s32 s25, s22;
	(pc) =	sbr.rel @p1 .LBB1_3-.Ltmp3, $4  }
0x5f: {  	v3 =	vld [tilespmem:s20+$0x10];
	[tilespmem:s21+$0x3870 ss:$0x81] =	vst.msk $0xffff, v0  }
0x60: {  	[tilespmem:s21+$0x810 ss:$0x81] =	vst.msk $0xffff, v5;
	v2 =	vld [tilespmem:s20+$0x20]  }
0x61: {  	v1 =	vld [tilespmem:s20+$0xFFFFFFC0];
	[tilespmem:s21+$0x1020 ss:$0x81] =	vst.msk $0xffff, v6;
	s20 =	sadd.s32 $0x80, s20  }
0x62: {  	s24 =	sadd.s32 $0x4, s24;
	v0 =	vld [tilespmem:s20+$0x30];
	[tilespmem:s21+$0x1830 ss:$0x81] =	vst.msk $0xffff, v7  }
.Ltmp4:
0x63: {  	_ = 	snop;
	(pc) =	sbr.rel .LBB1_4-.Ltmp4, $1  }
0x64: {  	_ =	sdelay $0x3  }
.LBB1_6:
0x65: {  	_ =	sfence.sel $0x180000  }
0x66: {  	s2 =	simm.s32 $0x1;
	[bflag:$0x0] =	sbarrier.arrive $0xFFFF  }
0x67: {  	s31 =	simm.s32 $0x2;
	[sflag:s2] =	ssyncpa.u1 $0x1  }
0x68: {  	[sflag:s31] =	ssyncpa.u1 $0x1  }
0x69: {  	p0 =	sne.s32 s0, $0x0;
	_ =	strace $0x9000004A  }
0x6a: {  	s0 =	sadd.s32 @!p0 $0x100000, s1;
	[bflag:$0x2] =	sbarrier.arrive $0xFFFF  }
0x6b: {  	[sflag:s0] =	ssyncadd.tile.s32 @!p0 $0x1;
	_ =	shalt  }
.Lfunc_end1:
_tile_overlayer_lowered:
.L_overlay_start_2:
0x6c: {  	(tag) =	ssettag $0x2  }
0x6d: {  	s0 =	rddreg [dreg:$0x0];
	s2 =	stileid.u32  }
0x6e: {  	s1 =	rddreg [dreg:$0x1];
	p0 =	sne.s32 s2, $0x0  }
0x6f: {  	s3 =	rddreg [dreg:$0x2];
	[bflag:$0x3] =	sbarrier.arrive $0xFFFF;
	s2 =	simm.s32 @!p0 $0x1C01  }
0x70: {  	[timem:s3], [sflag:s2] =	dma.local @!p0 [hbm:s0], s1  }
0x71: {  	s0 =	simm.s32 @!p0 $0x1  }
0x72: {  	_ =	swait.ge @!p0 [sflag:s0], s1  }
0x73: {  	s1 =	ssub.s32 @!p0 $0x0, s1;
	[sflag:s0] =	ssyncset.done @!p0 $0x0  }
0x74: {  	[sflag:s0] =	ssyncadd.s32 @!p0 s1  }
0x75: {  	[bflag:$0x3] =	sbarrier.arrive $0xFFFF  }
0x76: {  	_ =	shalt  }

</sc_bundles>
